<compile_context>
chip_gen: v7x
topology: tpu7x:2x2x1
jax: 0.10.2.dev20260603
libtpu: 0.0.44.dev20260713+nightly
codegen_flags: <defaults>
</compile_context>

<pallas_src>
import dataclasses
import functools

import jax
import jax.numpy as jnp
from jax import lax
from jax.experimental import pallas as pl
from jax.experimental.pallas import tpu as pltpu
from jax.experimental.pallas import tpu_sc as plsc

_G = 64
_NC = 2
_NS = 16
_NW = _NC * _NS
_L = 16


def _rsqrt_newton(d):
    i = plsc.bitcast(d, jnp.int32)
    y = plsc.bitcast(jnp.int32(0x5F3759DF) - lax.shift_right_logical(i, 1),
                     jnp.float32)
    half = d * 0.5
    y = y * (1.5 - half * y * y)
    y = y * (1.5 - half * y * y)
    return jnp.where(d > 0, y, 0.0)


def _sc_body(npad, npadx, rpt, row_hbm, col_hbm, ew_hbm, batch_hbm, b_out,
             colbuf, ewbuf, rowbuf, batchbuf, dinvbuf, degtile, idxstage,
             valstage, zbuf, sdeg, sdinv, sB):
    c = lax.axis_index("c")
    s = lax.axis_index("s")
    rpt2 = 2 * rpt
    bflat = _G * npadx
    slice_b = bflat // _NS
    slice_n = npad // _NS
    zn = zbuf.shape[0]

    pltpu.sync_copy(col_hbm.at[pl.ds(s * rpt2, rpt2)], colbuf)
    pltpu.sync_copy(ew_hbm.at[pl.ds(s * rpt2, rpt2)], ewbuf)
    pltpu.sync_copy(row_hbm.at[pl.ds(s * rpt2 + c * rpt, rpt)], rowbuf)
    pltpu.sync_copy(batch_hbm, batchbuf)

    @pl.loop(0, zn // _L)
    def _(i):
        zbuf[pl.ds(i * _L, _L)] = jnp.zeros((_L,), jnp.float32)

    pltpu.sync_copy(zbuf.at[pl.ds(0, slice_n)],
                    sdeg.at[pl.ds(s * slice_n, slice_n)])

    @pl.loop(0, slice_b // zn)
    def _(t):
        pltpu.sync_copy(zbuf, sB.at[pl.ds(s * slice_b + t * zn, zn)])

    plsc.subcore_barrier()

    @pl.loop(0, rpt2)
    def _(j):
        pltpu.sync_copy(ewbuf.at[j], sdeg.at[colbuf.at[j]], add=True)

    plsc.subcore_barrier()

    pltpu.sync_copy(sdeg.at[pl.ds(s * slice_n, slice_n)], degtile)

    @pl.loop(0, slice_n // _L)
    def _(i):
        sl = pl.ds(i * _L, _L)
        degtile[sl] = _rsqrt_newton(degtile[sl])

    pltpu.sync_copy(degtile, sdinv.at[pl.ds(s * slice_n, slice_n)])
    plsc.subcore_barrier()
    pltpu.sync_copy(sdinv, dinvbuf)

    @pl.loop(0, rpt)
    def _(j):
        @pl.loop(0, 128 // _L)
        def _(k):
            sl = pl.ds(k * _L, _L)
            r16 = rowbuf[j, sl]
            c16 = colbuf[c * rpt + j, sl]
            w16 = ewbuf[c * rpt + j, sl]
            is_cnt = r16 < 0
            r_safe = jnp.where(is_cnt, 0, r16)
            dr = plsc.load_gather(dinvbuf, [r_safe])
            dc = plsc.load_gather(dinvbuf, [c16])
            g16 = plsc.load_gather(batchbuf, [c16])
            bad = g16 < 0
            g_safe = jnp.where(bad, 0, g16)
            col_t = jnp.where(is_cnt, npad + (c16 & 127), r_safe)
            idxstage[sl] = jnp.where(bad, col_t, g_safe * npadx + col_t)
            val = jnp.where(is_cnt, 1.0, dr * w16 * dc)
            valstage[sl] = jnp.where(bad, 0.0, val)

        pltpu.sync_copy(valstage, sB.at[idxstage], add=True)

    plsc.subcore_barrier()
    pltpu.sync_copy(sB.at[pl.ds(s * slice_b, slice_b)],
                    b_out.at[pl.ds(c * bflat + s * slice_b, slice_b)])


def _out_tc_body(npad, b_ref, x_ref, w1_ref, zb_ref, w2_ref, b2_ref, out_ref):
    f32 = jnp.float32
    h = jnp.dot(x_ref[...], w1_ref[...], preferred_element_type=f32)
    bsum = b_ref[0] + b_ref[1]
    pooled = (jnp.dot(bsum[:, 0:npad], h, preferred_element_type=f32)
              + jnp.dot(bsum[:, npad:], zb_ref[...],
                        preferred_element_type=f32))
    out_ref[...] = lax.dot_general(
        pooled, w2_ref[...], (((1,), (1,)), ((), ())),
        preferred_element_type=f32) + b2_ref[...]


def kernel(node_input, edge_input, edge_index, batch, W1, b1, W2, b2):
    n, d_in = node_input.shape
    e = edge_input.shape[0]
    d_out = W2.shape[0]

    npad = ((n + 2047) // 2048) * 2048
    npadx = npad + 128
    e2 = e + n + npad
    echunk = _NW * 128 * 8
    epad = ((e2 + echunk - 1) // echunk) * echunk
    rpt = epad // 128 // _NW

    f32, i32 = jnp.float32, jnp.int32
    loop_idx = jnp.arange(n, dtype=i32)
    cnt_idx = jnp.arange(npad, dtype=i32)
    row2 = jnp.concatenate([edge_index[0].astype(i32), loop_idx,
                            jnp.full((npad,), -1, i32),
                            jnp.zeros((epad - e2,), i32)]).reshape(epad // 128, 128)
    col2 = jnp.concatenate([edge_index[1].astype(i32), loop_idx, cnt_idx,
                            jnp.zeros((epad - e2,), i32)]).reshape(epad // 128, 128)
    ew2 = jnp.concatenate([edge_input.astype(f32), jnp.ones((n,), f32),
                           jnp.zeros((npad,), f32),
                           jnp.zeros((epad - e2,), f32)]).reshape(epad // 128, 128)
    batch_pad = jnp.concatenate([batch.astype(i32),
                                 jnp.full((npad - n,), -1, i32)])
    xp = jnp.pad(node_input.astype(f32), ((0, npad - n), (0, 0)))
    zb = jnp.broadcast_to(b1.astype(f32).reshape(1, d_in), (128, d_in))

    mesh = plsc.VectorSubcoreMesh(core_axis_name="c", subcore_axis_name="s")
    cp = pltpu.CompilerParams()
    if "needs_layout_passes" in pltpu.CompilerParams.__dataclass_fields__:
        cp = dataclasses.replace(cp, needs_layout_passes=False)

    sc_kernel = pl.kernel(
        functools.partial(_sc_body, npad, npadx, rpt),
        out_type=jax.ShapeDtypeStruct((_NC * _G * npadx,), f32),
        mesh=mesh,
        compiler_params=cp,
        scratch_types=[
            pltpu.VMEM((2 * rpt, 128), i32),
            pltpu.VMEM((2 * rpt, 128), f32),
            pltpu.VMEM((rpt, 128), i32),
            pltpu.VMEM((npad,), i32),
            pltpu.VMEM((npad,), f32),
            pltpu.VMEM((npad // _NS,), f32),
            pltpu.VMEM((128,), i32),
            pltpu.VMEM((128,), f32),
            pltpu.VMEM((2048,), f32),
            pltpu.VMEM_SHARED((npad,), f32),
            pltpu.VMEM_SHARED((npad,), f32),
            pltpu.VMEM_SHARED((_G * npadx,), f32),
        ],
    )
    b2part = sc_kernel(row2, col2, ew2, batch_pad)

    out = pl.pallas_call(
        functools.partial(_out_tc_body, npad),
        out_shape=jax.ShapeDtypeStruct((_G, d_out), f32),
    )(b2part.reshape(_NC, _G, npadx), xp, W1.astype(f32), zb,
      W2.astype(f32), b2.astype(f32).reshape(1, d_out))
    return out

# --- scband reference (transcript-rebuilt; emitter-appended) ---
"""Pipeline reference for scband-mock-torch-student-64476049047782 (READ-ONLY COPY).

The authoritative reference and input builder live on the scoring server;
editing this copy changes nothing except your own understanding.
"""

import jax, jax.numpy as jnp
import numpy as np

N = 10000
E = 320000
G = 64
D_IN = 128
D_H = 128
D_OUT = 128


def setup_inputs(seed: int = 0) -> dict:
    key = jax.random.key(seed)
    k1, k2, k3, k4, k5, k6 = jax.random.split(key, 6)
    node_input = jax.random.normal(k1, (N, D_IN), dtype=jnp.float32)
    edge_input = jax.random.uniform(k2, (E,), dtype=jnp.float32)
    edge_index = jax.random.randint(k3, (2, E), 0, N, dtype=jnp.int64)
    batch = jnp.sort(jax.random.randint(k4, (N,), 0, G, dtype=jnp.int64))
    # GCNConv params: lin (no bias) + separate bias
    W1 = jax.random.normal(k5, (D_IN, D_H), dtype=jnp.float32) * 0.05
    b1 = jnp.zeros((D_H,), dtype=jnp.float32)
    # Final Linear: weight [out, in], bias [out]
    W2 = jax.random.normal(k6, (D_OUT, D_H), dtype=jnp.float32) * 0.05
    b2 = jnp.zeros((D_OUT,), dtype=jnp.float32)
    return {"node_input": node_input, "edge_input": edge_input,
            "edge_index": edge_index, "batch": batch,
            "W1": W1, "b1": b1, "W2": W2, "b2": b2}


def reference(node_input, edge_input, edge_index, batch, W1, b1, W2, b2):
    # --- GCNConv with edge_weight (gcn_norm with self-loops, fill_value=1) ---
    row, col = edge_index[0], edge_index[1]
    loop = jnp.arange(N, dtype=row.dtype)
    row2 = jnp.concatenate([row, loop])
    col2 = jnp.concatenate([col, loop])
    ew = jnp.concatenate([edge_input, jnp.ones((N,), dtype=edge_input.dtype)])
    deg = jax.ops.segment_sum(ew, col2, num_segments=N)
    deg_inv_sqrt = jnp.where(deg > 0, jax.lax.rsqrt(jnp.where(deg > 0, deg, 1.0)), 0.0)
    norm = deg_inv_sqrt[row2] * ew * deg_inv_sqrt[col2]
    h = node_input @ W1
    msg = norm[:, None] * jnp.take(h, row2, axis=0)
    agg = jax.ops.segment_sum(msg, col2, num_segments=N) + b1
    # --- global_add_pool ---
    pooled = jax.ops.segment_sum(agg, batch, num_segments=G)
    # --- Linear ---
    out = pooled @ W2.T + b2
    return out

if __name__ == "__main__":
    import jax
    _d = setup_inputs()
    print(jax.jit(kernel)(*tuple(_d.values())))

</pallas_src>

<mosaic_0001>
#map = affine_map<(d0, d1) -> (0, 0)>
#map1 = affine_map<(d0, d1) -> (0)>
module attributes {stable_mosaic.version = 14 : i64} {
  func.func @_sc_body(%arg0: i32, %arg1: i32, %arg2: memref<2816x128xi32, #tpu.memory_space<hbm>>, %arg3: memref<2816x128xi32, #tpu.memory_space<hbm>>, %arg4: memref<2816x128xf32, #tpu.memory_space<hbm>>, %arg5: memref<10240xi32, #tpu.memory_space<hbm>>, %arg6: memref<1327104xf32, #tpu.memory_space<hbm>>, %arg7: memref<176x128xi32, #tpu.memory_space<vmem>>, %arg8: memref<176x128xf32, #tpu.memory_space<vmem>>, %arg9: memref<88x128xi32, #tpu.memory_space<vmem>>, %arg10: memref<10240xi32, #tpu.memory_space<vmem>>, %arg11: memref<10240xf32, #tpu.memory_space<vmem>>, %arg12: memref<640xf32, #tpu.memory_space<vmem>>, %arg13: memref<128xi32, #tpu.memory_space<vmem>>, %arg14: memref<128xf32, #tpu.memory_space<vmem>>, %arg15: memref<2048xf32, #tpu.memory_space<vmem>>, %arg16: memref<10240xf32, #tpu.memory_space<vmem_shared>>, %arg17: memref<10240xf32, #tpu.memory_space<vmem_shared>>, %arg18: memref<663552xf32, #tpu.memory_space<vmem_shared>>) attributes {dimension_semantics = [#tpu.dimension_semantics<core_parallel>, #tpu.dimension_semantics<subcore_parallel>], iteration_bounds = array<i64: 2, 16>, scalar_prefetch = 0 : i64, scratch_operands = 12 : i64, tpu.core_type = #tpu.core_type<sc_vector_subcore>, window_params = [{transform_indices = #map}, {transform_indices = #map}, {transform_indices = #map}, {transform_indices = #map1}, {transform_indices = #map1}]} {
    %mul3A = arith.constant 176 : i32
    %mul3A_0 = arith.muli %arg1, %mul3A : i32
    "tpu.region"() ({
      %run_scoped3A = tpu.sem_alloc : memref<!tpu.dma_semaphore, #tpu.memory_space<semaphore_mem>>
      %dma_start3A = arith.constant 0 : i32
      %dma_start3A_47 = tpu.memref_slice %arg3[%mul3A_0, %dma_start3A] : memref<2816x128xi32, #tpu.memory_space<hbm>> -> memref<176x128xi32, #tpu.memory_space<hbm>>
      %dma_start3A_48 = arith.constant 0 : i32
      %dma_start3A_49 = tpu.memref_slice %arg3[%mul3A_0, %dma_start3A_48] : memref<2816x128xi32, #tpu.memory_space<hbm>> -> memref<176x128xi32, #tpu.memory_space<hbm>>
      tpu.enqueue_dma source(%dma_start3A_49 : memref<176x128xi32, #tpu.memory_space<hbm>>) target(%arg7 : memref<176x128xi32, #tpu.memory_space<vmem>>) target_semaphore(%run_scoped3A : memref<!tpu.dma_semaphore, #tpu.memory_space<semaphore_mem>>)
      %dma_wait3A = arith.constant 0 : i32
      %dma_wait3A_50 = tpu.memref_slice %arg3[%mul3A_0, %dma_wait3A] : memref<2816x128xi32, #tpu.memory_space<hbm>> -> memref<176x128xi32, #tpu.memory_space<hbm>>
      %dma_wait3A_51 = arith.constant 0 : i32
      %dma_wait3A_52 = tpu.memref_slice %arg3[%mul3A_0, %dma_wait3A_51] : memref<2816x128xi32, #tpu.memory_space<hbm>> -> memref<176x128xi32, #tpu.memory_space<hbm>>
      tpu.wait_dma2 semaphore(%run_scoped3A : memref<!tpu.dma_semaphore, #tpu.memory_space<semaphore_mem>>) src(%dma_wait3A_52 : memref<176x128xi32, #tpu.memory_space<hbm>>) dst(%arg7 : memref<176x128xi32, #tpu.memory_space<vmem>>)
      tpu.yield
    }) : () -> ()
    %mul3A_1 = arith.constant 176 : i32
    %mul3A_2 = arith.muli %arg1, %mul3A_1 : i32
    "tpu.region"() ({
      %run_scoped3A = tpu.sem_alloc : memref<!tpu.dma_semaphore, #tpu.memory_space<semaphore_mem>>
      %dma_start3A = arith.constant 0 : i32
      %dma_start3A_47 = tpu.memref_slice %arg4[%mul3A_2, %dma_start3A] : memref<2816x128xf32, #tpu.memory_space<hbm>> -> memref<176x128xf32, #tpu.memory_space<hbm>>
      %dma_start3A_48 = arith.constant 0 : i32
      %dma_start3A_49 = tpu.memref_slice %arg4[%mul3A_2, %dma_start3A_48] : memref<2816x128xf32, #tpu.memory_space<hbm>> -> memref<176x128xf32, #tpu.memory_space<hbm>>
      tpu.enqueue_dma source(%dma_start3A_49 : memref<176x128xf32, #tpu.memory_space<hbm>>) target(%arg8 : memref<176x128xf32, #tpu.memory_space<vmem>>) target_semaphore(%run_scoped3A : memref<!tpu.dma_semaphore, #tpu.memory_space<semaphore_mem>>)
      %dma_wait3A = arith.constant 0 : i32
      %dma_wait3A_50 = tpu.memref_slice %arg4[%mul3A_2, %dma_wait3A] : memref<2816x128xf32, #tpu.memory_space<hbm>> -> memref<176x128xf32, #tpu.memory_space<hbm>>
      %dma_wait3A_51 = arith.constant 0 : i32
      %dma_wait3A_52 = tpu.memref_slice %arg4[%mul3A_2, %dma_wait3A_51] : memref<2816x128xf32, #tpu.memory_space<hbm>> -> memref<176x128xf32, #tpu.memory_space<hbm>>
      tpu.wait_dma2 semaphore(%run_scoped3A : memref<!tpu.dma_semaphore, #tpu.memory_space<semaphore_mem>>) src(%dma_wait3A_52 : memref<176x128xf32, #tpu.memory_space<hbm>>) dst(%arg8 : memref<176x128xf32, #tpu.memory_space<vmem>>)
      tpu.yield
    }) : () -> ()
    %mul3A_3 = arith.constant 176 : i32
    %mul3A_4 = arith.muli %arg1, %mul3A_3 : i32
    %mul3A_5 = arith.constant 88 : i32
    %mul3A_6 = arith.muli %arg0, %mul3A_5 : i32
    %add3A = arith.addi %mul3A_4, %mul3A_6 : i32
    "tpu.region"() ({
      %run_scoped3A = tpu.sem_alloc : memref<!tpu.dma_semaphore, #tpu.memory_space<semaphore_mem>>
      %dma_start3A = arith.constant 0 : i32
      %dma_start3A_47 = tpu.memref_slice %arg2[%add3A, %dma_start3A] : memref<2816x128xi32, #tpu.memory_space<hbm>> -> memref<88x128xi32, #tpu.memory_space<hbm>>
      %dma_start3A_48 = arith.constant 0 : i32
      %dma_start3A_49 = tpu.memref_slice %arg2[%add3A, %dma_start3A_48] : memref<2816x128xi32, #tpu.memory_space<hbm>> -> memref<88x128xi32, #tpu.memory_space<hbm>>
      tpu.enqueue_dma source(%dma_start3A_49 : memref<88x128xi32, #tpu.memory_space<hbm>>) target(%arg9 : memref<88x128xi32, #tpu.memory_space<vmem>>) target_semaphore(%run_scoped3A : memref<!tpu.dma_semaphore, #tpu.memory_space<semaphore_mem>>)
      %dma_wait3A = arith.constant 0 : i32
      %dma_wait3A_50 = tpu.memref_slice %arg2[%add3A, %dma_wait3A] : memref<2816x128xi32, #tpu.memory_space<hbm>> -> memref<88x128xi32, #tpu.memory_space<hbm>>
      %dma_wait3A_51 = arith.constant 0 : i32
      %dma_wait3A_52 = tpu.memref_slice %arg2[%add3A, %dma_wait3A_51] : memref<2816x128xi32, #tpu.memory_space<hbm>> -> memref<88x128xi32, #tpu.memory_space<hbm>>
      tpu.wait_dma2 semaphore(%run_scoped3A : memref<!tpu.dma_semaphore, #tpu.memory_space<semaphore_mem>>) src(%dma_wait3A_52 : memref<88x128xi32, #tpu.memory_space<hbm>>) dst(%arg9 : memref<88x128xi32, #tpu.memory_space<vmem>>)
      tpu.yield
    }) : () -> ()
    "tpu.region"() ({
      %run_scoped3A = tpu.sem_alloc : memref<!tpu.dma_semaphore, #tpu.memory_space<semaphore_mem>>
      tpu.enqueue_dma source(%arg5 : memref<10240xi32, #tpu.memory_space<hbm>>) target(%arg10 : memref<10240xi32, #tpu.memory_space<vmem>>) target_semaphore(%run_scoped3A : memref<!tpu.dma_semaphore, #tpu.memory_space<semaphore_mem>>)
      tpu.wait_dma2 semaphore(%run_scoped3A : memref<!tpu.dma_semaphore, #tpu.memory_space<semaphore_mem>>) src(%arg5 : memref<10240xi32, #tpu.memory_space<hbm>>) dst(%arg10 : memref<10240xi32, #tpu.memory_space<vmem>>)
      tpu.yield
    }) : () -> ()
    %scan3A = arith.constant 0 : i32
    %scan3A_7 = arith.constant 128 : i32
    %scan3A_8 = arith.addi %scan3A, %scan3A_7 : i32
    %scan3A_9 = arith.constant 1 : i32
    scf.for %scan3A_47 = %scan3A to %scan3A_8 step %scan3A_9  : i32 {
      %mul3A_48 = arith.constant 1 : i32
      %mul3A_49 = arith.muli %scan3A_47, %mul3A_48 : i32
      %add3A_50 = arith.constant 0 : i32
      %add3A_51 = arith.addi %add3A_50, %mul3A_49 : i32
      %broadcast_in_dim3A = arith.constant 0.000000e+00 : f32
      %broadcast_in_dim3A_52 = vector.broadcast %broadcast_in_dim3A : f32 to vector<16xf32>
      %mul3A_53 = arith.constant 16 : i32
      %mul3A_54 = arith.muli %add3A_51, %mul3A_53 : i32
      %swap3A = arith.index_cast %mul3A_54 : i32 to index
      %swap3A_55 = tpu.vector_load %arg15[%swap3A] {strides = array<i32>} : memref<2048xf32, #tpu.memory_space<vmem>>, vector<16xf32>,
      tpu.vector_store %arg15[%swap3A], %broadcast_in_dim3A_52 {strides = array<i32>} : memref<2048xf32, #tpu.memory_space<vmem>>, vector<16xf32>,
    }
    %scan3A_10 = arith.constant 128 : i32
    %mul3A_11 = arith.constant 640 : i32
    %mul3A_12 = arith.muli %arg1, %mul3A_11 : i32
    "tpu.region"() ({
      %run_scoped3A = tpu.sem_alloc : memref<!tpu.dma_semaphore, #tpu.memory_space<semaphore_mem>>
      %dma_start3A = arith.constant 0 : i32
      %dma_start3A_47 = tpu.memref_slice %arg15[%dma_start3A] : memref<2048xf32, #tpu.memory_space<vmem>> -> memref<640xf32, #tpu.memory_space<vmem>>
      %dma_start3A_48 = tpu.memref_slice %arg16[%mul3A_12] : memref<10240xf32, #tpu.memory_space<vmem_shared>> -> memref<640xf32, #tpu.memory_space<vmem_shared>>
      %dma_start3A_49 = tpu.memref_slice %arg16[%mul3A_12] : memref<10240xf32, #tpu.memory_space<vmem_shared>> -> memref<640xf32, #tpu.memory_space<vmem_shared>>
      %dma_start3A_50 = arith.constant 0 : i32
      %dma_start3A_51 = tpu.memref_slice %arg15[%dma_start3A_50] : memref<2048xf32, #tpu.memory_space<vmem>> -> memref<640xf32, #tpu.memory_space<vmem>>
      tpu.enqueue_dma source(%dma_start3A_51 : memref<640xf32, #tpu.memory_space<vmem>>) target(%dma_start3A_49 : memref<640xf32, #tpu.memory_space<vmem_shared>>) target_semaphore(%run_scoped3A : memref<!tpu.dma_semaphore, #tpu.memory_space<semaphore_mem>>)
      %dma_wait3A = arith.constant 0 : i32
      %dma_wait3A_52 = tpu.memref_slice %arg15[%dma_wait3A] : memref<2048xf32, #tpu.memory_space<vmem>> -> memref<640xf32, #tpu.memory_space<vmem>>
      %dma_wait3A_53 = tpu.memref_slice %arg16[%mul3A_12] : memref<10240xf32, #tpu.memory_space<vmem_shared>> -> memref<640xf32, #tpu.memory_space<vmem_shared>>
      %dma_wait3A_54 = tpu.memref_slice %arg16[%mul3A_12] : memref<10240xf32, #tpu.memory_space<vmem_shared>> -> memref<640xf32, #tpu.memory_space<vmem_shared>>
      %dma_wait3A_55 = arith.constant 0 : i32
      %dma_wait3A_56 = tpu.memref_slice %arg15[%dma_wait3A_55] : memref<2048xf32, #tpu.memory_space<vmem>> -> memref<640xf32, #tpu.memory_space<vmem>>
      tpu.wait_dma2 semaphore(%run_scoped3A : memref<!tpu.dma_semaphore, #tpu.memory_space<semaphore_mem>>) src(%dma_wait3A_56 : memref<640xf32, #tpu.memory_space<vmem>>) dst(%dma_wait3A_54 : memref<640xf32, #tpu.memory_space<vmem_shared>>)
      tpu.yield
    }) : () -> ()
    %scan3A_13 = arith.constant 0 : i32
    %scan3A_14 = arith.constant 20 : i32
    %scan3A_15 = arith.addi %scan3A_13, %scan3A_14 : i32
    %scan3A_16 = arith.constant 1 : i32
    scf.for %scan3A_47 = %scan3A_13 to %scan3A_15 step %scan3A_16  : i32 {
      %mul3A_48 = arith.constant 1 : i32
      %mul3A_49 = arith.muli %scan3A_47, %mul3A_48 : i32
      %add3A_50 = arith.constant 0 : i32
      %add3A_51 = arith.addi %add3A_50, %mul3A_49 : i32
      %mul3A_52 = arith.constant 41472 : i32
      %mul3A_53 = arith.muli %arg1, %mul3A_52 : i32
      %mul3A_54 = arith.constant 2048 : i32
      %mul3A_55 = arith.muli %add3A_51, %mul3A_54 : i32
      %add3A_56 = arith.addi %mul3A_53, %mul3A_55 : i32
      "tpu.region"() ({
        %run_scoped3A = tpu.sem_alloc : memref<!tpu.dma_semaphore, #tpu.memory_space<semaphore_mem>>
        %dma_start3A = tpu.memref_slice %arg18[%add3A_56] : memref<663552xf32, #tpu.memory_space<vmem_shared>> -> memref<2048xf32, #tpu.memory_space<vmem_shared>>
        %dma_start3A_57 = tpu.memref_slice %arg18[%add3A_56] : memref<663552xf32, #tpu.memory_space<vmem_shared>> -> memref<2048xf32, #tpu.memory_space<vmem_shared>>
        tpu.enqueue_dma source(%arg15 : memref<2048xf32, #tpu.memory_space<vmem>>) target(%dma_start3A_57 : memref<2048xf32, #tpu.memory_space<vmem_shared>>) target_semaphore(%run_scoped3A : memref<!tpu.dma_semaphore, #tpu.memory_space<semaphore_mem>>)
        %dma_wait3A = tpu.memref_slice %arg18[%add3A_56] : memref<663552xf32, #tpu.memory_space<vmem_shared>> -> memref<2048xf32, #tpu.memory_space<vmem_shared>>
        %dma_wait3A_58 = tpu.memref_slice %arg18[%add3A_56] : memref<663552xf32, #tpu.memory_space<vmem_shared>> -> memref<2048xf32, #tpu.memory_space<vmem_shared>>
        tpu.wait_dma2 semaphore(%run_scoped3A : memref<!tpu.dma_semaphore, #tpu.memory_space<semaphore_mem>>) src(%arg15 : memref<2048xf32, #tpu.memory_space<vmem>>) dst(%dma_wait3A_58 : memref<2048xf32, #tpu.memory_space<vmem_shared>>)
        tpu.yield
      }) : () -> ()
    }
    %scan3A_17 = arith.constant 20 : i32
    %barrier3A = arith.constant 0 : index
    tpu.barrier barrier_id(%barrier3A)
    %scan3A_18 = arith.constant 0 : i32
    %scan3A_19 = arith.constant 176 : i32
    %scan3A_20 = arith.addi %scan3A_18, %scan3A_19 : i32
    %scan3A_21 = arith.constant 1 : i32
    scf.for %scan3A_47 = %scan3A_18 to %scan3A_20 step %scan3A_21  : i32 {
      %mul3A_48 = arith.constant 1 : i32
      %mul3A_49 = arith.muli %scan3A_47, %mul3A_48 : i32
      %add3A_50 = arith.constant 0 : i32
      %add3A_51 = arith.addi %add3A_50, %mul3A_49 : i32
      "tpu.region"() ({
        %run_scoped3A = tpu.sem_alloc : memref<!tpu.dma_semaphore, #tpu.memory_space<semaphore_mem>>
        %dma_start3A = arith.constant 0 : i32
        %dma_start3A_52 = tpu.memref_slice %arg8[%add3A_51, %dma_start3A] : memref<176x128xf32, #tpu.memory_space<vmem>> -> memref<1x128xf32, #tpu.memory_space<vmem>>
        %dma_start3A_53 = tpu.memref_squeeze %dma_start3A_52 : memref<1x128xf32, #tpu.memory_space<vmem>> -> memref<128xf32, #tpu.memory_space<vmem>>
        %dma_start3A_54 = arith.constant 0 : i32
        %dma_start3A_55 = tpu.memref_slice %arg7[%add3A_51, %dma_start3A_54] : memref<176x128xi32, #tpu.memory_space<vmem>> -> memref<1x128xi32, #tpu.memory_space<vmem>>
        %dma_start3A_56 = tpu.memref_squeeze %dma_start3A_55 : memref<1x128xi32, #tpu.memory_space<vmem>> -> memref<128xi32, #tpu.memory_space<vmem>>
        %dma_start3A_57 = arith.constant 0 : i32
        %dma_start3A_58 = tpu.memref_slice %arg16[%dma_start3A_57] : memref<10240xf32, #tpu.memory_space<vmem_shared>> -> memref<10240xf32, #tpu.memory_space<vmem_shared>>
        tpu.enqueue_indirect_dma source(%dma_start3A_53 : memref<128xf32, #tpu.memory_space<vmem>>) target(%dma_start3A_58 : memref<10240xf32, #tpu.memory_space<vmem_shared>>) offsets(%dma_start3A_56 : memref<128xi32, #tpu.memory_space<vmem>>) semaphore(%run_scoped3A : memref<!tpu.dma_semaphore, #tpu.memory_space<semaphore_mem>>) {add = true}
        %dma_wait3A = arith.constant 0 : i32
        %dma_wait3A_59 = tpu.memref_slice %arg8[%add3A_51, %dma_wait3A] : memref<176x128xf32, #tpu.memory_space<vmem>> -> memref<1x128xf32, #tpu.memory_space<vmem>>
        %dma_wait3A_60 = tpu.memref_squeeze %dma_wait3A_59 : memref<1x128xf32, #tpu.memory_space<vmem>> -> memref<128xf32, #tpu.memory_space<vmem>>
        %dma_wait3A_61 = arith.constant 0 : i32
        %dma_wait3A_62 = tpu.memref_slice %arg7[%add3A_51, %dma_wait3A_61] : memref<176x128xi32, #tpu.memory_space<vmem>> -> memref<1x128xi32, #tpu.memory_space<vmem>>
        %dma_wait3A_63 = tpu.memref_squeeze %dma_wait3A_62 : memref<1x128xi32, #tpu.memory_space<vmem>> -> memref<128xi32, #tpu.memory_space<vmem>>
        %dma_wait3A_64 = arith.constant 0 : i32
        %dma_wait3A_65 = tpu.memref_slice %arg16[%dma_wait3A_64] : memref<10240xf32, #tpu.memory_space<vmem_shared>> -> memref<10240xf32, #tpu.memory_space<vmem_shared>>
        tpu.wait_indirect_dma semaphore(%run_scoped3A : memref<!tpu.dma_semaphore, #tpu.memory_space<semaphore_mem>>) src(%dma_wait3A_60 : memref<128xf32, #tpu.memory_space<vmem>>) dst(%dma_wait3A_65 : memref<10240xf32, #tpu.memory_space<vmem_shared>>)
        tpu.yield
      }) : () -> ()
    }
    %scan3A_22 = arith.constant 176 : i32
    %barrier3A_23 = arith.constant 0 : index
    tpu.barrier barrier_id(%barrier3A_23)
    %mul3A_24 = arith.constant 640 : i32
    %mul3A_25 = arith.muli %arg1, %mul3A_24 : i32
    "tpu.region"() ({
      %run_scoped3A = tpu.sem_alloc : memref<!tpu.dma_semaphore, #tpu.memory_space<semaphore_mem>>
      %dma_start3A = tpu.memref_slice %arg16[%mul3A_25] : memref<10240xf32, #tpu.memory_space<vmem_shared>> -> memref<640xf32, #tpu.memory_space<vmem_shared>>
      %dma_start3A_47 = tpu.memref_slice %arg16[%mul3A_25] : memref<10240xf32, #tpu.memory_space<vmem_shared>> -> memref<640xf32, #tpu.memory_space<vmem_shared>>
      tpu.enqueue_dma source(%dma_start3A_47 : memref<640xf32, #tpu.memory_space<vmem_shared>>) target(%arg12 : memref<640xf32, #tpu.memory_space<vmem>>) target_semaphore(%run_scoped3A : memref<!tpu.dma_semaphore, #tpu.memory_space<semaphore_mem>>)
      %dma_wait3A = tpu.memref_slice %arg16[%mul3A_25] : memref<10240xf32, #tpu.memory_space<vmem_shared>> -> memref<640xf32, #tpu.memory_space<vmem_shared>>
      %dma_wait3A_48 = tpu.memref_slice %arg16[%mul3A_25] : memref<10240xf32, #tpu.memory_space<vmem_shared>> -> memref<640xf32, #tpu.memory_space<vmem_shared>>
      tpu.wait_dma2 semaphore(%run_scoped3A : memref<!tpu.dma_semaphore, #tpu.memory_space<semaphore_mem>>) src(%dma_wait3A_48 : memref<640xf32, #tpu.memory_space<vmem_shared>>) dst(%arg12 : memref<640xf32, #tpu.memory_space<vmem>>)
      tpu.yield
    }) : () -> ()
    %scan3A_26 = arith.constant 0 : i32
    %scan3A_27 = arith.constant 40 : i32
    %scan3A_28 = arith.addi %scan3A_26, %scan3A_27 : i32
    %scan3A_29 = arith.constant 1 : i32
    scf.for %scan3A_47 = %scan3A_26 to %scan3A_28 step %scan3A_29  : i32 {
      %mul3A_48 = arith.constant 1 : i32
      %mul3A_49 = arith.muli %scan3A_47, %mul3A_48 : i32
      %add3A_50 = arith.constant 0 : i32
      %add3A_51 = arith.addi %add3A_50, %mul3A_49 : i32
      %mul3A_52 = arith.constant 16 : i32
      %mul3A_53 = arith.muli %add3A_51, %mul3A_52 : i32
      %get3A = arith.index_cast %mul3A_53 : i32 to index
      %get3A_54 = tpu.vector_load %arg12[%get3A] {strides = array<i32>} : memref<640xf32, #tpu.memory_space<vmem>>, vector<16xf32>,
      %bitcast3A = vector.bitcast %get3A_54 : vector<16xf32> to vector<16xi32>
      %shift_right_logical3A = arith.constant 1 : i32
      %shift_right_logical3A_55 = vector.broadcast %shift_right_logical3A : i32 to vector<16xi32>
      %shift_right_logical3A_56 = arith.shrui %bitcast3A, %shift_right_logical3A_55 : vector<16xi32>
      %sub3A = arith.constant 1597463007 : i32
      %sub3A_57 = vector.broadcast %sub3A : i32 to vector<16xi32>
      %sub3A_58 = arith.subi %sub3A_57, %shift_right_logical3A_56 : vector<16xi32>
      %bitcast3A_59 = vector.bitcast %sub3A_58 : vector<16xi32> to vector<16xf32>
      %mul3A_60 = arith.constant 5.000000e-01 : f32
      %mul3A_61 = vector.broadcast %mul3A_60 : f32 to vector<16xf32>
      %mul3A_62 = arith.mulf %get3A_54, %mul3A_61 : vector<16xf32>
      %mul3A_63 = arith.mulf %mul3A_62, %bitcast3A_59 : vector<16xf32>
      %mul3A_64 = arith.mulf %mul3A_63, %bitcast3A_59 : vector<16xf32>
      %sub3A_65 = arith.constant 1.500000e+00 : f32
      %sub3A_66 = vector.broadcast %sub3A_65 : f32 to vector<16xf32>
      %sub3A_67 = arith.subf %sub3A_66, %mul3A_64 : vector<16xf32>
      %mul3A_68 = arith.mulf %bitcast3A_59, %sub3A_67 : vector<16xf32>
      %mul3A_69 = arith.mulf %mul3A_62, %mul3A_68 : vector<16xf32>
      %mul3A_70 = arith.mulf %mul3A_69, %mul3A_68 : vector<16xf32>
      %sub3A_71 = arith.constant 1.500000e+00 : f32
      %sub3A_72 = vector.broadcast %sub3A_71 : f32 to vector<16xf32>
      %sub3A_73 = arith.subf %sub3A_72, %mul3A_70 : vector<16xf32>
      %mul3A_74 = arith.mulf %mul3A_68, %sub3A_73 : vector<16xf32>
      %gt3A = arith.constant 0.000000e+00 : f32
      %gt3A_75 = vector.broadcast %gt3A : f32 to vector<16xf32>
      %gt3A_76 = arith.cmpf ogt, %get3A_54, %gt3A_75 : vector<16xf32>
      %jit3A = arith.constant 0.000000e+00 : f32
      %broadcast_in_dim3A = vector.broadcast %jit3A : f32 to vector<16xf32>
      %select_n3A = arith.select %gt3A_76, %mul3A_74, %broadcast_in_dim3A : vector<16xi1>, vector<16xf32>
      %swap3A = arith.index_cast %mul3A_53 : i32 to index
      %swap3A_77 = tpu.vector_load %arg12[%swap3A] {strides = array<i32>} : memref<640xf32, #tpu.memory_space<vmem>>, vector<16xf32>,
      tpu.vector_store %arg12[%swap3A], %select_n3A {strides = array<i32>} : memref<640xf32, #tpu.memory_space<vmem>>, vector<16xf32>,
    }
    %scan3A_30 = arith.constant 40 : i32
    %mul3A_31 = arith.constant 640 : i32
    %mul3A_32 = arith.muli %arg1, %mul3A_31 : i32
    "tpu.region"() ({
      %run_scoped3A = tpu.sem_alloc : memref<!tpu.dma_semaphore, #tpu.memory_space<semaphore_mem>>
      %dma_start3A = tpu.memref_slice %arg17[%mul3A_32] : memref<10240xf32, #tpu.memory_space<vmem_shared>> -> memref<640xf32, #tpu.memory_space<vmem_shared>>
      %dma_start3A_47 = tpu.memref_slice %arg17[%mul3A_32] : memref<10240xf32, #tpu.memory_space<vmem_shared>> -> memref<640xf32, #tpu.memory_space<vmem_shared>>
      tpu.enqueue_dma source(%arg12 : memref<640xf32, #tpu.memory_space<vmem>>) target(%dma_start3A_47 : memref<640xf32, #tpu.memory_space<vmem_shared>>) target_semaphore(%run_scoped3A : memref<!tpu.dma_semaphore, #tpu.memory_space<semaphore_mem>>)
      %dma_wait3A = tpu.memref_slice %arg17[%mul3A_32] : memref<10240xf32, #tpu.memory_space<vmem_shared>> -> memref<640xf32, #tpu.memory_space<vmem_shared>>
      %dma_wait3A_48 = tpu.memref_slice %arg17[%mul3A_32] : memref<10240xf32, #tpu.memory_space<vmem_shared>> -> memref<640xf32, #tpu.memory_space<vmem_shared>>
      tpu.wait_dma2 semaphore(%run_scoped3A : memref<!tpu.dma_semaphore, #tpu.memory_space<semaphore_mem>>) src(%arg12 : memref<640xf32, #tpu.memory_space<vmem>>) dst(%dma_wait3A_48 : memref<640xf32, #tpu.memory_space<vmem_shared>>)
      tpu.yield
    }) : () -> ()
    %barrier3A_33 = arith.constant 0 : index
    tpu.barrier barrier_id(%barrier3A_33)
    "tpu.region"() ({
      %run_scoped3A = tpu.sem_alloc : memref<!tpu.dma_semaphore, #tpu.memory_space<semaphore_mem>>
      tpu.enqueue_dma source(%arg17 : memref<10240xf32, #tpu.memory_space<vmem_shared>>) target(%arg11 : memref<10240xf32, #tpu.memory_space<vmem>>) target_semaphore(%run_scoped3A : memref<!tpu.dma_semaphore, #tpu.memory_space<semaphore_mem>>)
      tpu.wait_dma2 semaphore(%run_scoped3A : memref<!tpu.dma_semaphore, #tpu.memory_space<semaphore_mem>>) src(%arg17 : memref<10240xf32, #tpu.memory_space<vmem_shared>>) dst(%arg11 : memref<10240xf32, #tpu.memory_space<vmem>>)
      tpu.yield
    }) : () -> ()
    %scan3A_34 = arith.constant 0 : i32
    %scan3A_35 = arith.constant 88 : i32
    %scan3A_36 = arith.addi %scan3A_34, %scan3A_35 : i32
    %scan3A_37 = arith.constant 1 : i32
    scf.for %scan3A_47 = %scan3A_34 to %scan3A_36 step %scan3A_37  : i32 {
      %mul3A_48 = arith.constant 1 : i32
      %mul3A_49 = arith.muli %scan3A_47, %mul3A_48 : i32
      %add3A_50 = arith.constant 0 : i32
      %add3A_51 = arith.addi %add3A_50, %mul3A_49 : i32
      %scan3A_52 = arith.constant 0 : i32
      %scan3A_53 = arith.constant 8 : i32
      %scan3A_54 = arith.addi %scan3A_52, %scan3A_53 : i32
      %scan3A_55 = arith.constant 1 : i32
      scf.for %scan3A_57 = %scan3A_52 to %scan3A_54 step %scan3A_55  : i32 {
        %mul3A_58 = arith.constant 1 : i32
        %mul3A_59 = arith.muli %scan3A_57, %mul3A_58 : i32
        %add3A_60 = arith.constant 0 : i32
        %add3A_61 = arith.addi %add3A_60, %mul3A_59 : i32
        %mul3A_62 = arith.constant 16 : i32
        %mul3A_63 = arith.muli %add3A_61, %mul3A_62 : i32
        %get3A = arith.index_cast %add3A_51 : i32 to index
        %get3A_64 = arith.index_cast %mul3A_63 : i32 to index
        %get3A_65 = tpu.vector_load %arg9[%get3A, %get3A_64] {strides = array<i32>} : memref<88x128xi32, #tpu.memory_space<vmem>>, vector<16xi32>,
        %mul3A_66 = arith.constant 88 : i32
        %mul3A_67 = arith.muli %arg0, %mul3A_66 : i32
        %add3A_68 = arith.addi %mul3A_67, %add3A_51 : i32
        %get3A_69 = arith.index_cast %add3A_68 : i32 to index
        %get3A_70 = arith.index_cast %mul3A_63 : i32 to index
        %get3A_71 = tpu.vector_load %arg7[%get3A_69, %get3A_70] {strides = array<i32>} : memref<176x128xi32, #tpu.memory_space<vmem>>, vector<16xi32>,
        %mul3A_72 = arith.constant 88 : i32
        %mul3A_73 = arith.muli %arg0, %mul3A_72 : i32
        %add3A_74 = arith.addi %mul3A_73, %add3A_51 : i32
        %get3A_75 = arith.index_cast %add3A_74 : i32 to index
        %get3A_76 = arith.index_cast %mul3A_63 : i32 to index
        %get3A_77 = tpu.vector_load %arg8[%get3A_75, %get3A_76] {strides = array<i32>} : memref<176x128xf32, #tpu.memory_space<vmem>>, vector<16xf32>,
        %lt3A = arith.constant 0 : i32
        %lt3A_78 = vector.broadcast %lt3A : i32 to vector<16xi32>
        %lt3A_79 = arith.cmpi slt, %get3A_65, %lt3A_78 : vector<16xi32>
        %jit3A = arith.constant 0 : i32
        %broadcast_in_dim3A = vector.broadcast %jit3A : i32 to vector<16xi32>
        %select_n3A = arith.select %lt3A_79, %broadcast_in_dim3A, %get3A_65 : vector<16xi1>, vector<16xi32>
        %gather3A = tpu.vector_load_idx %arg11[%select_n3A] : memref<10240xf32, #tpu.memory_space<vmem>>[vector<16xi32>], vector<16xf32>,
        %gather3A_80 = tpu.vector_load_idx %arg11[%get3A_71] : memref<10240xf32, #tpu.memory_space<vmem>>[vector<16xi32>], vector<16xf32>,
        %gather3A_81 = tpu.vector_load_idx %arg10[%get3A_71] : memref<10240xi32, #tpu.memory_space<vmem>>[vector<16xi32>], vector<16xi32>,
        %lt3A_82 = arith.constant 0 : i32
        %lt3A_83 = vector.broadcast %lt3A_82 : i32 to vector<16xi32>
        %lt3A_84 = arith.cmpi slt, %gather3A_81, %lt3A_83 : vector<16xi32>
        %jit3A_85 = arith.constant 0 : i32
        %broadcast_in_dim3A_86 = vector.broadcast %jit3A_85 : i32 to vector<16xi32>
        %select_n3A_87 = arith.select %lt3A_84, %broadcast_in_dim3A_86, %gather3A_81 : vector<16xi1>, vector<16xi32>
        %and3A = arith.constant 127 : i32
        %and3A_88 = vector.broadcast %and3A : i32 to vector<16xi32>
        %and3A_89 = arith.andi %get3A_71, %and3A_88 : vector<16xi32>
        %add3A_90 = arith.constant 10240 : i32
        %add3A_91 = vector.broadcast %add3A_90 : i32 to vector<16xi32>
        %add3A_92 = arith.addi %add3A_91, %and3A_89 : vector<16xi32>
        %select_n3A_93 = arith.select %lt3A_79, %add3A_92, %select_n3A : vector<16xi1>, vector<16xi32>
        %mul3A_94 = arith.constant 10368 : i32
        %mul3A_95 = vector.broadcast %mul3A_94 : i32 to vector<16xi32>
        %mul3A_96 = arith.muli %select_n3A_87, %mul3A_95 : vector<16xi32>
        %add3A_97 = arith.addi %mul3A_96, %select_n3A_93 : vector<16xi32>
        %select_n3A_98 = arith.select %lt3A_84, %select_n3A_93, %add3A_97 : vector<16xi1>, vector<16xi32>
        %swap3A = arith.index_cast %mul3A_63 : i32 to index
        %swap3A_99 = tpu.vector_load %arg13[%swap3A] {strides = array<i32>} : memref<128xi32, #tpu.memory_space<vmem>>, vector<16xi32>,
        tpu.vector_store %arg13[%swap3A], %select_n3A_98 {strides = array<i32>} : memref<128xi32, #tpu.memory_space<vmem>>, vector<16xi32>,
        %mul3A_100 = arith.mulf %gather3A, %get3A_77 : vector<16xf32>
        %mul3A_101 = arith.mulf %mul3A_100, %gather3A_80 : vector<16xf32>
        %jit3A_102 = arith.constant 1.000000e+00 : f32
        %broadcast_in_dim3A_103 = vector.broadcast %jit3A_102 : f32 to vector<16xf32>
        %select_n3A_104 = arith.select %lt3A_79, %broadcast_in_dim3A_103, %mul3A_101 : vector<16xi1>, vector<16xf32>
        %jit3A_105 = arith.constant 0.000000e+00 : f32
        %broadcast_in_dim3A_106 = vector.broadcast %jit3A_105 : f32 to vector<16xf32>
        %select_n3A_107 = arith.select %lt3A_84, %broadcast_in_dim3A_106, %select_n3A_104 : vector<16xi1>, vector<16xf32>
        %swap3A_108 = arith.index_cast %mul3A_63 : i32 to index
        %swap3A_109 = tpu.vector_load %arg14[%swap3A_108] {strides = array<i32>} : memref<128xf32, #tpu.memory_space<vmem>>, vector<16xf32>,
        tpu.vector_store %arg14[%swap3A_108], %select_n3A_107 {strides = array<i32>} : memref<128xf32, #tpu.memory_space<vmem>>, vector<16xf32>,
      }
      %scan3A_56 = arith.constant 8 : i32
      "tpu.region"() ({
        %run_scoped3A = tpu.sem_alloc : memref<!tpu.dma_semaphore, #tpu.memory_space<semaphore_mem>>
        %dma_start3A = arith.constant 0 : i32
        %dma_start3A_57 = tpu.memref_slice %arg18[%dma_start3A] : memref<663552xf32, #tpu.memory_space<vmem_shared>> -> memref<663552xf32, #tpu.memory_space<vmem_shared>>
        tpu.enqueue_indirect_dma source(%arg14 : memref<128xf32, #tpu.memory_space<vmem>>) target(%dma_start3A_57 : memref<663552xf32, #tpu.memory_space<vmem_shared>>) offsets(%arg13 : memref<128xi32, #tpu.memory_space<vmem>>) semaphore(%run_scoped3A : memref<!tpu.dma_semaphore, #tpu.memory_space<semaphore_mem>>) {add = true}
        %dma_wait3A = arith.constant 0 : i32
        %dma_wait3A_58 = tpu.memref_slice %arg18[%dma_wait3A] : memref<663552xf32, #tpu.memory_space<vmem_shared>> -> memref<663552xf32, #tpu.memory_space<vmem_shared>>
        tpu.wait_indirect_dma semaphore(%run_scoped3A : memref<!tpu.dma_semaphore, #tpu.memory_space<semaphore_mem>>) src(%arg14 : memref<128xf32, #tpu.memory_space<vmem>>) dst(%dma_wait3A_58 : memref<663552xf32, #tpu.memory_space<vmem_shared>>)
        tpu.yield
      }) : () -> ()
    }
    %scan3A_38 = arith.constant 88 : i32
    %barrier3A_39 = arith.constant 0 : index
    tpu.barrier barrier_id(%barrier3A_39)
    %mul3A_40 = arith.constant 41472 : i32
    %mul3A_41 = arith.muli %arg1, %mul3A_40 : i32
    %mul3A_42 = arith.constant 663552 : i32
    %mul3A_43 = arith.muli %arg0, %mul3A_42 : i32
    %mul3A_44 = arith.constant 41472 : i32
    %mul3A_45 = arith.muli %arg1, %mul3A_44 : i32
    %add3A_46 = arith.addi %mul3A_43, %mul3A_45 : i32
    "tpu.region"() ({
      %run_scoped3A = tpu.sem_alloc : memref<!tpu.dma_semaphore, #tpu.memory_space<semaphore_mem>>
      %dma_start3A = tpu.memref_slice %arg6[%add3A_46] : memref<1327104xf32, #tpu.memory_space<hbm>> -> memref<41472xf32, #tpu.memory_space<hbm>>
      %dma_start3A_47 = tpu.memref_slice %arg18[%mul3A_41] : memref<663552xf32, #tpu.memory_space<vmem_shared>> -> memref<41472xf32, #tpu.memory_space<vmem_shared>>
      tpu.enqueue_dma source(%dma_start3A_47 : memref<41472xf32, #tpu.memory_space<vmem_shared>>) target(%dma_start3A : memref<41472xf32, #tpu.memory_space<hbm>>) target_semaphore(%run_scoped3A : memref<!tpu.dma_semaphore, #tpu.memory_space<semaphore_mem>>)
      %dma_wait3A = tpu.memref_slice %arg6[%add3A_46] : memref<1327104xf32, #tpu.memory_space<hbm>> -> memref<41472xf32, #tpu.memory_space<hbm>>
      %dma_wait3A_48 = tpu.memref_slice %arg18[%mul3A_41] : memref<663552xf32, #tpu.memory_space<vmem_shared>> -> memref<41472xf32, #tpu.memory_space<vmem_shared>>
      tpu.wait_dma2 semaphore(%run_scoped3A : memref<!tpu.dma_semaphore, #tpu.memory_space<semaphore_mem>>) src(%dma_wait3A_48 : memref<41472xf32, #tpu.memory_space<vmem_shared>>) dst(%dma_wait3A : memref<41472xf32, #tpu.memory_space<hbm>>)
      tpu.yield
    }) : () -> ()
    return
  }
}

module attributes {stable_mosaic.version = 14 : i64} {
  func.func @_out_tc_body(%arg0: memref<2x64x10368xf32, #tpu.memory_space<vmem>>, %arg1: memref<10240x128xf32, #tpu.memory_space<vmem>>, %arg2: memref<128x128xf32, #tpu.memory_space<vmem>>, %arg3: memref<128x128xf32, #tpu.memory_space<vmem>>, %arg4: memref<128x128xf32, #tpu.memory_space<vmem>>, %arg5: memref<1x128xf32, #tpu.memory_space<vmem>>, %arg6: memref<64x128xf32, #tpu.memory_space<vmem>>) attributes {dimension_semantics = [], scalar_prefetch = 0 : i64, scratch_operands = 0 : i64, tpu.core_type = #tpu.core_type<tc>} {
    %get3A = arith.constant 0 : index
    %get3A_0 = arith.constant 0 : index
    %get3A_1 = vector.load %arg1[%get3A, %get3A_0] : memref<10240x128xf32, #tpu.memory_space<vmem>>, vector<10240x128xf32>
    %get3A_2 = arith.constant 0 : index
    %get3A_3 = arith.constant 0 : index
    %get3A_4 = vector.load %arg2[%get3A_2, %get3A_3] : memref<128x128xf32, #tpu.memory_space<vmem>>, vector<128x128xf32>
    %dot_general3A = arith.constant dense<0.000000e+00> : vector<10240x128xf32>
    %dot_general3A_5 = tpu.matmul %get3A_1, %get3A_4, %dot_general3A {dimension_numbers = #tpu.dot_dimension_numbers<[1], [0], [0], [1], [0, 0, 1, 1], [], []>, transpose_lhs_hint = false} : vector<10240x128xf32>, vector<128x128xf32>, vector<10240x128xf32> -> vector<10240x128xf32>
    %get3A_6 = arith.constant 0 : index
    %get3A_7 = arith.constant 0 : index
    %get3A_8 = arith.constant 0 : index
    %get3A_9 = vector.load %arg0[%get3A_6, %get3A_7, %get3A_8] : memref<2x64x10368xf32, #tpu.memory_space<vmem>>, vector<1x64x10368xf32>
    %get3A_10 = vector.shape_cast %get3A_9 : vector<1x64x10368xf32> to vector<64x10368xf32>
    %get3A_11 = arith.constant 1 : index
    %get3A_12 = arith.constant 0 : index
    %get3A_13 = arith.constant 0 : index
    %get3A_14 = vector.load %arg0[%get3A_11, %get3A_12, %get3A_13] : memref<2x64x10368xf32, #tpu.memory_space<vmem>>, vector<1x64x10368xf32>
    %get3A_15 = vector.shape_cast %get3A_14 : vector<1x64x10368xf32> to vector<64x10368xf32>
    %add3A = arith.addf %get3A_10, %get3A_15 : vector<64x10368xf32>
    %slice3A = vector.extract_strided_slice %add3A {offsets = [0, 0], sizes = [64, 10240], strides = [1, 1]} : vector<64x10368xf32> to vector<64x10240xf32>
    %dot_general3A_16 = arith.constant dense<0.000000e+00> : vector<64x128xf32>
    %dot_general3A_17 = tpu.matmul %slice3A, %dot_general3A_5, %dot_general3A_16 {dimension_numbers = #tpu.dot_dimension_numbers<[1], [0], [0], [1], [0, 0, 1, 1], [], []>, transpose_lhs_hint = false} : vector<64x10240xf32>, vector<10240x128xf32>, vector<64x128xf32> -> vector<64x128xf32>
    %slice3A_18 = vector.extract_strided_slice %add3A {offsets = [0, 10240], sizes = [64, 128], strides = [1, 1]} : vector<64x10368xf32> to vector<64x128xf32>
    %get3A_19 = arith.constant 0 : index
    %get3A_20 = arith.constant 0 : index
    %get3A_21 = vector.load %arg3[%get3A_19, %get3A_20] : memref<128x128xf32, #tpu.memory_space<vmem>>, vector<128x128xf32>
    %dot_general3A_22 = arith.constant dense<0.000000e+00> : vector<64x128xf32>
    %dot_general3A_23 = tpu.matmul %slice3A_18, %get3A_21, %dot_general3A_22 {dimension_numbers = #tpu.dot_dimension_numbers<[1], [0], [0], [1], [0, 0, 1, 1], [], []>, transpose_lhs_hint = false} : vector<64x128xf32>, vector<128x128xf32>, vector<64x128xf32> -> vector<64x128xf32>
    %add3A_24 = arith.addf %dot_general3A_17, %dot_general3A_23 : vector<64x128xf32>
    %get3A_25 = arith.constant 0 : index
    %get3A_26 = arith.constant 0 : index
    %get3A_27 = vector.load %arg4[%get3A_25, %get3A_26] : memref<128x128xf32, #tpu.memory_space<vmem>>, vector<128x128xf32>
    %dot_general3A_28 = arith.constant dense<0.000000e+00> : vector<64x128xf32>
    %dot_general3A_29 = tpu.matmul %add3A_24, %get3A_27, %dot_general3A_28 {dimension_numbers = #tpu.dot_dimension_numbers<[1], [1], [0], [0], [0, 0, 1, 0], [], []>, transpose_lhs_hint = false} : vector<64x128xf32>, vector<128x128xf32>, vector<64x128xf32> -> vector<64x128xf32>
    %get3A_30 = arith.constant 0 : index
    %get3A_31 = arith.constant 0 : index
    %get3A_32 = vector.load %arg5[%get3A_30, %get3A_31] : memref<1x128xf32, #tpu.memory_space<vmem>>, vector<1x128xf32>
    %add3A_33 = vector.broadcast %get3A_32 : vector<1x128xf32> to vector<64x128xf32>
    %add3A_34 = arith.addf %dot_general3A_29, %add3A_33 : vector<64x128xf32>
    %swap3A = arith.constant 0 : index
    %swap3A_35 = arith.constant 0 : index
    %swap3A_36 = vector.load %arg6[%swap3A, %swap3A_35] : memref<64x128xf32, #tpu.memory_space<vmem>>, vector<64x128xf32>
    tpu.vector_store %arg6[%swap3A, %swap3A_35], %add3A_34 {strides = array<i32>} : memref<64x128xf32, #tpu.memory_space<vmem>>, vector<64x128xf32>,
    return
  }
}

</mosaic_0001>

<sc_bundles>
// kernel: kernel.4.cloned.1.call-start
scs
__scs_entry_jumppad:
0x0: {  	(pc) =	sbr.rel $0x88, $3  }
0x1: {  	(tag) =	ssettag $0x0;
	lr =	simm.s32 $0x1  }
0x2: {  	[smem:$0x3F99] =	sst lr;
	_ =	strace $0xD0000000  }
0x3: {  	_ = 	snop  }
0x4: {  	_ = 	snop  }
0x5: {  	_ = 	snop  }
0x6: {  	_ = 	snop  }
0x7: {  	_ = 	snop  }
__scs_overlays_trampoline_lowered:
0x8: {  	[smem:$0x3FA8] =	sst s0  }
0x9: {  	[smem:$0x3FA9] =	sst s1  }
0xa: {  	[smem:$0x3FAA] =	sst s2  }
0xb: {  	[smem:$0x3FAB] =	sst s3  }
0xc: {  	[smem:$0x3FAC] =	sst s4  }
0xd: {  	[smem:$0x3FAD] =	sst s5  }
0xe: {  	[smem:$0x3FAE] =	sst s6  }
0xf: {  	[smem:$0x3FAF] =	sst s7  }
0x10: {  	[smem:$0x3FB0] =	sst s8  }
0x11: {  	[smem:$0x3FB1] =	sst s9;
	s0 =	simm.s32 @!p0 $0x0  }
0x12: {  	s1 =	sld [smem:$0x3F97];
	s0 =	simm.s32 @p0 $0x1  }
0x13: {  	[smem:$0x3FB2] =	sst s0;
	s0 =	simm.s32 @!p1 $0x0  }
0x14: {  	s2 =	sld [smem:$0x3F96];
	s0 =	simm.s32 @p1 $0x1  }
0x15: {  	[smem:$0x3FB3] =	sst s0;
	s0 =	simm.s32 @!p2 $0x0  }
0x16: {  	s3 =	sld [smem:$0x3FDB];
	s0 =	simm.s32 @p2 $0x1  }
0x17: {  	s4 =	simm.s32 $0x1BF5;
	[smem:$0x3FB5] =	sst s0  }
0x18: {  	s0 =	sld [smem:$0x3F98];
	_ =	swait.ge [sflag:s4], $0x0  }
0x19: {  	s7 =	sld [smem:$0x3F99]  }
0x1a: {  	s8 =	sadd.s32 $0xFFFFE003, lr  }
0x1b: {  	s9 =	sadd.s32 $0xFFFFFEF7, lr;
	s5 =	simm.s32 $0xFFFFFFFF;
	p2 =	slt.u32 s8, $0xFFFFF086  }
0x1c: {  	p1 =	slt.u32 s9, $0xF7A;
	s5 =	simm.s32 @!p2 $0x0  }
0x1d: {  	s5 =	simm.s32 @p1 $0x1;
	p0 =	seq.s32 s7, s2  }
0x1e: {  	s7 =	smul.u32 @!p0 $0xF7A, s2;
	p2 =	seq.s32 @!p0 s5, $0x0  }
0x1f: {  	s9 =	smul.u32 $0xF7A, s1;
	s8 =	simm.s32 @!p0 $0x1BF5;
	p2 =	por !p2, p0  }
0x20: {  	[sflag:s8] =	ssyncset.s32 @!p0 $0xFFFFF086;
	s6 =	sadd.s32 @!p0 s3, s7;
	s7 =	simm.s32 @!p0 $0x108  }
0x21: {  	s3 =	sadd.s32 s3, s9;
	s6 =	sadd.s32 @!p0 $0x88, s6;
	s7 =	simm.s32 @p2 $0x1082  }
0x22: {  	[simem:s7], [sflag:s8] =	dma.local @!p0 [hbm:s6], $0xF7A  }
0x23: {  	s9 =	sor.u32 $0xD0000000, s2;
	s6 =	simm.s32 $0x108;
	_ =	swait.ge @!p0 [sflag:s8], $0x0  }
0x24: {  	s3 =	sadd.s32 $0x88, s3;
	s6 =	simm.s32 @!p1 $0x1082;
	[sflag:s4] =	ssyncset.s32 $0xFFFFF086  }
0x25: {  	[simem:s6], [sflag:s4] =	dma.local [hbm:s3], $0xF7A  }
0x26: {  	[smem:$0x3F99] =	sst s1;
	(tag) =	ssettag s2;
	_ =	strace s9  }
0x27: {  	s1 =	sld [smem:$0x3FA9]  }
0x28: {  	s2 =	sld [smem:$0x3FAA]  }
0x29: {  	s4 =	sld [smem:$0x3FAC]  }
0x2a: {  	p0 =	seq.s32 s5, $0x0;
	s5 =	sld [smem:$0x3FAD]  }
0x2b: {  	s6 =	sld [smem:$0x3FAE]  }
0x2c: {  	s7 =	sld [smem:$0x3FAF]  }
0x2d: {  	s3 =	simm.s32 $0x108;
	s8 =	sld [smem:$0x3FB0]  }
0x2e: {  	s3 =	simm.s32 @!p0 $0x1082;
	s9 =	sld [smem:$0x3FB1]  }
0x2f: {  	lr =	sadd.s32 s0, s3;
	s0 =	sld [smem:$0x3FA8]  }
0x30: {  	s3 =	sld [smem:$0x3FAB]  }
0x31: {  	[smem:$0x3FB4] =	sst s10  }
0x32: {  	s10 =	sld [smem:$0x3FB2];
	_ =	sdelay $0x3  }
0x33: {  	p0 =	seq.s32 s10, $0x1;
	s10 =	sld [smem:$0x3FB4];
	_ =	sdelay $0x3  }
0x34: {  	[smem:$0x3FB4] =	sst s10  }
0x35: {  	s10 =	sld [smem:$0x3FB3];
	_ =	sdelay $0x3  }
0x36: {  	p1 =	seq.s32 s10, $0x1;
	s10 =	sld [smem:$0x3FB4];
	_ =	sdelay $0x3  }
0x37: {  	[smem:$0x3FB4] =	sst s10  }
0x38: {  	s10 =	sld [smem:$0x3FB5]  }
0x39: {  	_ = 	snop;
	(pc) =	sbr.ind lr, $3  }
0x3a: {  	_ = 	snop  }
0x3b: {  	_ = 	snop  }
0x3c: {  	p2 =	seq.s32 s10, $0x1;
	s10 =	sld [smem:$0x3FB4]  }
0x3d: {  	_ =	shalt  }
0x3e: {  	_ =	shalt  }
0x3f: {  	_ =	shalt  }
0x40: {  	_ =	shalt  }
0x41: {  	_ =	shalt  }
0x42: {  	_ =	shalt  }
0x43: {  	_ =	shalt  }
0x44: {  	_ =	shalt  }
0x45: {  	_ =	shalt  }
0x46: {  	_ =	shalt  }
0x47: {  	_ =	shalt  }
0x48: {  	_ =	shalt  }
0x49: {  	_ =	shalt  }
0x4a: {  	_ =	shalt  }
0x4b: {  	_ =	shalt  }
0x4c: {  	_ =	shalt  }
0x4d: {  	_ =	shalt  }
0x4e: {  	_ =	shalt  }
0x4f: {  	_ =	shalt  }
0x50: {  	_ =	shalt  }
0x51: {  	_ =	shalt  }
0x52: {  	_ =	shalt  }
0x53: {  	_ =	shalt  }
0x54: {  	_ =	shalt  }
0x55: {  	_ =	shalt  }
0x56: {  	_ =	shalt  }
0x57: {  	_ =	shalt  }
0x58: {  	_ =	shalt  }
0x59: {  	_ =	shalt  }
0x5a: {  	_ =	shalt  }
0x5b: {  	_ =	shalt  }
0x5c: {  	_ =	shalt  }
0x5d: {  	_ =	shalt  }
0x5e: {  	_ =	shalt  }
0x5f: {  	_ =	shalt  }
0x60: {  	_ =	shalt  }
0x61: {  	_ =	shalt  }
0x62: {  	_ =	shalt  }
0x63: {  	_ =	shalt  }
0x64: {  	_ =	shalt  }
0x65: {  	_ =	shalt  }
0x66: {  	_ =	shalt  }
0x67: {  	_ =	shalt  }
0x68: {  	_ =	shalt  }
0x69: {  	_ =	shalt  }
0x6a: {  	_ =	shalt  }
0x6b: {  	_ =	shalt  }
0x6c: {  	_ =	shalt  }
0x6d: {  	_ =	shalt  }
0x6e: {  	_ =	shalt  }
0x6f: {  	_ =	shalt  }
0x70: {  	_ =	shalt  }
0x71: {  	_ =	shalt  }
0x72: {  	_ =	shalt  }
0x73: {  	_ =	shalt  }
0x74: {  	_ =	shalt  }
0x75: {  	_ =	shalt  }
0x76: {  	_ =	shalt  }
0x77: {  	_ =	shalt  }
0x78: {  	_ =	shalt  }
0x79: {  	_ =	shalt  }
0x7a: {  	_ =	shalt  }
0x7b: {  	_ =	shalt  }
0x7c: {  	_ =	shalt  }
0x7d: {  	_ =	shalt  }
0x7e: {  	_ =	shalt  }
0x7f: {  	_ =	shalt  }
0x80: {  	_ =	shalt  }
0x81: {  	_ =	shalt  }
0x82: {  	_ =	shalt  }
0x83: {  	_ =	shalt  }
0x84: {  	_ =	shalt  }
0x85: {  	_ =	shalt  }
0x86: {  	_ =	shalt  }
0x87: {  	_ =	shalt  }
.Lfunc_end0:
.L_simem_size_0:
called_computation_lowered:
.L_overlay_start_0:
0x88: {  	s2 =	sld [smem:$0x3FD9]  }
0x89: {  	s3 =	sld [smem:$0x3FFE];
	_ =	sdelay $0x1  }
0x8a: {  	s1 =	srdreg.scid  }
0x8b: {  	s0 =	sand.u32 $0x1, s1  }
0x8c: {  	s16 =	sshll.u32 s0, $0xA;
	s2 =	sadd.s32 s3, s2  }
0x8d: {  	s2 =	sadd.s32 s2, s16  }
0x8e: {  	[smem:$0x3FC0] =	sst s2  }
0x8f: {  	_ = 	snop  }
0x90: {  	(tm) =	ssettm $0x1  }
0x91: {  	s17 =	sld [smem:$0x3FFB];
	_ =	sdelay $0x3  }
0x92: {  	_ =	strace s17  }
0x93: {  	s2 =	sld [smem:$0x3FFC];
	_ =	sdelay $0x3  }
0x94: {  	_ =	strace s2  }
0x95: {  	s2 =	sld [smem:$0x3FFD];
	_ =	sdelay $0x3  }
0x96: {  	_ =	strace s2  }
0x97: {  	_ =	strace $0x8FFFFFFF  }
0x98: {  	s18 =	sld [smem:$0x3FDB];
	_ =	sdelay $0x1  }
0x99: {  	s19 =	simm.s32 $_scs_section_size  }
0x9a: {  	s4 =	simm.s32 $_size__tile_overlayer_lowered;
	s5 =	simm.s32 $_tile_overlayer_lowered  }
0x9b: {  	s22 =	simm.s32 $0x1BFF;
	s21 =	sshll.u32 s5, $0x1;
	s2 =	sadd.s32 s19, s18  }
0x9c: {  	s6 =	simm.s32 $0x0;
	s20 =	sshll.u32 s4, $0x1;
	s4 =	sadd.s32 s21, s2  }
0x9d: {  	[timem:s6], [sflag:s22] =	dma.local [hbm:s4], s20  }
0x9e: {  	_ =	swait.ge [sflag:s22], s20  }
0x9f: {  	s3 =	ssub.s32 $0x0, s20;
	[sflag:s22] =	ssyncset.done $0x0  }
0xa0: {  	[sflag:s22] =	ssyncadd.s32 s3;
	_ =	sdelay $0x1  }
0xa1: {  	s23 =	simm.s32 $0x1B8B  }
0xa2: {  	_ =	swait.ge [sflag:s23], $0x1  }
0xa3: {  	[sflag:s23] =	ssyncset.done $0x0  }
0xa4: {  	s25 =	simm.s32 $0x1B8E;
	s24 =	sld [smem:$0x3FFE];
	[sflag:s23] =	ssyncadd.s32 $0xFFFFFFFF  }
0xa5: {  	s26 =	simm.s32 $execute0_lowered;
	[smem:$0x3FD2] =	sst s25  }
0xa6: {  	s4 =	sshll.u32 s26, $0x1;
	_ =	strace $0x80000046;
	[dreg:$0x1] =	wrdreg $0xFFFFFFFF  }
0xa7: {  	s28 =	simm.s32 $_size_execute0_lowered;
	s2 =	sadd.s32 s2, s4;
	[dreg:$0x0] =	wrdreg $0x0  }
0xa8: {  	s4 =	sshll.u32 s28, $0x1;
	[dreg:$0x2] =	wrdreg s2  }
0xa9: {  	[dreg:$0x3] =	wrdreg s4  }
0xaa: {  	[dreg:$0x4] =	wrdreg $0xC0  }
0xab: {  	_ =	task [dreg:s6], $0x5FFFF  }
0xac: {  	[dreg:$0x1] =	wrdreg $0xFFFFFFFF  }
0xad: {  	[dreg:$0x0] =	wrdreg $0x60  }
0xae: {  	[dreg:$0x2] =	wrdreg s24  }
0xaf: {  	[dreg:$0x3] =	wrdreg $0x137800  }
0xb0: {  	[dreg:$0x4] =	wrdreg $0x13C800  }
0xb1: {  	[dreg:$0x5] =	wrdreg $0x13A000  }
0xb2: {  	[dreg:$0x6] =	wrdreg $0x9  }
0xb3: {  	_ =	task.clear_ibuf [dreg:s6], $0x7FFFF;
	_ =	strace $0x90000046  }
0xb4: {  	s29 =	simm.s32 $0x9;
	_ =	strace $0x80000048  }
0xb5: {  	_ =	swait.ge [sflag:s29], $0x1  }
0xb6: {  	[sflag:s29] =	ssyncadd.s32 $0xFFFFFFFF  }
0xb7: {  	_ =	strace $0x90000048  }
0xb8: {  	_ =	sfence  }
0xb9: {  	s30 =	sld [smem:$0x0];
	_ =	sdelay $0x2  }
0xba: {  	s31 =	sshll.u32 s1, $0xD;
	s1 =	sshrl.u32 s1, $0x2  }
0xbb: {  	s3 =	sand.u32 $0x4000, s31;
	s1 =	sadd.s32 s1, s30  }
0xbc: {  	s0 =	sor.u32 s3, s0;
	s1 =	sshll.u32 s1, $0x11  }
0xbd: {  	s0 =	sor.u32 s1, s0  }
0xbe: {  	s0 =	sadd.s32 $0x8F2B, s0  }
0xbf: {  	[sflag:s0] =	ssyncadd.remote.s32 $0x1  }
0xc0: {  	_ =	sfence.sel $0xFFFF  }
0xc1: {  	[dreg:$0x0] =	wrdreg $0xFFFFFFFF;
	(pc) =	sbr.abs _section_cstart, $3  }
0xc2: {  	[dreg:$0x1] =	wrdreg $0xFFFFFFFF  }
0xc3: {  	_ =	task.clear_ibuf [dreg:s6], $0x2FFFF;
	_ =	strace $0x9FFFFFFF  }
0xc4: {  	(tm) =	ssettm $0x7FFFFFFF  }
0xc5: {  	_ =	shalt  }
tec
execute0_lowered:
.L_overlay_start_1:
0x0: {  	(tag) =	ssettag $0x1  }
0x1: {  	s0 =	rddreg [dreg:$0x0];
	s10 =	stileid.u32  }
0x2: {  	s1 =	rddreg [dreg:$0x1];
	s4 =	smul.u32 $0xB0, s10  }
0x3: {  	s2 =	srdreg.scid;
	s7 =	smul.u32 $0xB00, s10  }
0x4: {  	s3 =	rddreg [dreg:$0x2];
	s8 =	smul.u32 $0xA200, s10  }
0x5: {  	s13 =	rddreg [dreg:$0x3];
	s12 =	smul.u32 $0x280, s10  }
0x6: {  	s5 =	simm.s32 $0x0;
	s2 =	sand.u32 $0x1, s2;
	s11 =	smul.u32 $0x28800, s10  }
0x7: {  	[smem:$0x7FF] =	sst s5;
	s6 =	smul.u32 $0x58, s2  }
0x8: {  	s9 =	sadd.s32 $0x1000, s0;
	s26 =	smul.u32 $0xA2000, s2;
	_ =	strace $0x80000047  }
0x9: {  	[dreg:$0x5] =	wrdreg s9;
	s28 =	ssub.s32 $0x2, s2;
	s2 =	smul.u32 $0xB000, s2  }
0xa: {  	s9 =	simm.s32 $0x1;
	s7 =	sadd.s32 s7, s0;
	s29 =	sshrl.u32 s28, $0x1  }
0xb: {  	s11 =	sshrl.u32 s11, $0x2;
	s14 =	sadd.s32 s12, s13;
	s15 =	sadd.s32 s8, s3  }
0xc: {  	s13 =	simm.s32 $0x12F80;
	s4 =	sadd.s32 s6, s4;
	s6 =	sadd.s32 s8, s26  }
0xd: {  	s10 =	sadd.s32 $0xC600, s7;
	s7 =	sadd.s32 $0x17600, s7;
	[dreg:$0x9] =	wrdreg s14  }
0xe: {  	s11 =	sadd.s32 s11, s3;
	s14 =	simm.s32 $0x80;
	[dreg:$0x6] =	wrdreg s10  }
0xf: {  	s4 =	sshll.u32 s4, $0x4;
	[dreg:$0x7] =	wrdreg s7;
	s17 =	sadd.s32 $0x800, s11  }
0x10: {  	s6 =	sshrl.u32 s6, $0x3;
	s18 =	sadd.s32 $0x1000, s11;
	[dreg:$0xc] =	wrdreg s17  }
0x11: {  	s10 =	sadd.s32 s12, s1;
	s19 =	sadd.s32 $0x1800, s11;
	[dreg:$0xd] =	wrdreg s18  }
0x12: {  	s20 =	sadd.s32 $0x2000, s11;
	s21 =	sadd.s32 $0x2800, s11;
	[dreg:$0xe] =	wrdreg s19  }
0x13: {  	s22 =	sadd.s32 $0x3000, s11;
	s23 =	sadd.s32 $0x3800, s11;
	[dreg:$0xf] =	wrdreg s20  }
0x14: {  	s24 =	sadd.s32 $0x4000, s11;
	s25 =	sadd.s32 $0x4800, s11;
	[dreg:$0x10] =	wrdreg s21  }
0x15: {  	s26 =	sadd.s32 $0x5000, s11;
	s30 =	sadd.s32 $0x6800, s11;
	[dreg:$0x11] =	wrdreg s22  }
0x16: {  	s31 =	sadd.s32 $0x7000, s11;
	s7 =	sadd.s32 $0x9800, s11;
	[dreg:$0x12] =	wrdreg s23  }
0x17: {  	s12 =	simm.s32 $0xDC00;
	s4 =	sadd.s32 s4, s0;
	[dreg:$0x13] =	wrdreg s24  }
0x18: {  	s0 =	sadd.s32 s6, s0;
	s6 =	ssub.s32 s28, s29;
	[dreg:$0x14] =	wrdreg s25  }
0x19: {  	s22 =	sshrl.u32 s2, $0x2;
	[dreg:$0x16] =	wrdreg s26;
	s28 =	sadd.s32 $0x5800, s11  }
0x1a: {  	s29 =	sadd.s32 $0x6000, s11;
	s2 =	sadd.s32 $0x7800, s11;
	[dreg:$0x17] =	wrdreg s28  }
0x1b: {  	s17 =	simm.s32 $0x12E80;
	s4 =	sadd.s32 $0x1600, s4;
	[dreg:$0x18] =	wrdreg s29  }
0x1c: {  	s18 =	simm.s32 $0x12F00;
	s0 =	sadd.s32 $0x22600, s0;
	[dreg:$0x8] =	wrdreg s4  }
0x1d: {  	s19 =	simm.s32 $0x0;
	s16 =	smax.u32 s6, $0x1;
	[dreg:$0xa] =	wrdreg s0  }
0x1e: {  	s6 =	sadd.s32 $0x9000, s11;
	s23 =	sadd.s32 $0x5800, s22;
	[dreg:$0xb] =	wrdreg s16  }
0x1f: {  	s0 =	sshrl.u32 s15, $0x3;
	s4 =	sadd.s32 $0x8000, s11;
	s15 =	simm.s32 $0x12C00  }
0x20: {  	v0 =	vimm.f32 $0.0e+00;
	s16 =	simm.s32 $0x10400;
	[dreg:$0x15] =	wrdreg s0;
	s0 =	sadd.s32 $0x8800, s11  }
.LBB2_1:
0x21: {  	s8 =	rddreg [dreg:$0x6]  }
0x22: {  	[tilespmem:s5], [sflag:$0x1] =	stream.linear.gather [hbm4b:s8+s5], $0x5800, $0x38;
	[tilespmem:$0x1DE80] =	vst v63  }
0x23: {  	_ =	swait.ge [sflag:s9], $0x5800  }
0x24: {  	[sflag:s9] =	ssyncset.done $0x0  }
0x25: {  	s20 =	simm.s32 $0x5800;
	s25 =	rddreg [dreg:$0x7];
	[sflag:s9] =	ssyncadd.s32 $0xFFFFA800  }
0x26: {  	[tilespmem:s20], [sflag:$0x1] =	stream.linear.gather [hbm4b:s25+s5], $0x5800, $0x38;
	[tilespmem:$0x1DE80] =	vst v63  }
0x27: {  	_ =	swait.ge [sflag:s9], $0x5800  }
0x28: {  	[sflag:s9] =	ssyncset.done $0x0  }
0x29: {  	s28 =	simm.s32 $0xB000;
	s26 =	rddreg [dreg:$0x8];
	[sflag:s9] =	ssyncadd.s32 $0xFFFFA800  }
0x2a: {  	[tilespmem:s28], [sflag:$0x1] =	stream.linear.gather [hbm4b:s26+s5], $0x2C00, $0x38;
	[tilespmem:$0x1DE80] =	vst v63  }
0x2b: {  	_ =	swait.ge [sflag:s9], $0x2C00  }
0x2c: {  	[sflag:s9] =	ssyncset.done $0x0  }
0x2d: {  	s29 =	rddreg [dreg:$0x5];
	[sflag:s9] =	ssyncadd.s32 $0xFFFFD400  }
0x2e: {  	[tilespmem:s12], [sflag:$0x1] =	stream.linear.gather [hbm4b:s29+s5], $0x2800, $0x38;
	[tilespmem:$0x1DE80] =	vst v63  }
0x2f: {  	_ =	swait.ge [sflag:s9], $0x2800  }
0x30: {  	[sflag:s9] =	ssyncset.done $0x0  }
0x31: {  	s8 =	simm.s32 $0x40;
	s20 =	simm.s32 $0x0;
	[sflag:s9] =	ssyncadd.s32 $0xFFFFD800  }
.LBB2_2:
0x32: {  	p0 =	sne.s32 s8, $0x1FC0;
	[tilespmem:s20+$0x12F80] =	vst v0;
	s20 =	smov.u32 s8;
	s8 =	sadd.s32 $0x40, s8  }
.Ltmp0:
0x33: {  	(pc) =	sbr.rel @p0 .LBB2_2-.Ltmp0, $2  }
0x34: {  	_ =	sdelay $0x2  }
0x35: {  	s20 =	sshra.s32 s20, $0x2  }
0x36: {  	[tilespmem:s20+$0x12F80] =	vst v0  }
0x37: {  	[spmem:s10] =	stream.linear.scatter [tilespmem:s13], [sflag:$0x1], $0x280, $0x38;
	[tilespmem:$0x1DE80] =	vst v63  }
0x38: {  	_ =	swait.ge [sflag:s9], $0x280  }
0x39: {  	[sflag:s9] =	ssyncset.done $0x0  }
0x3a: {  	[sflag:s9] =	ssyncadd.s32 $0xFFFFFD80  }
0x3b: {  	[spmem:s11] =	stream.linear.scatter [tilespmem:s13], [sflag:$0x1], $0x800, $0x38;
	[tilespmem:$0x1DE80] =	vst v63  }
0x3c: {  	_ =	swait.ge [sflag:s9], $0x800  }
0x3d: {  	[sflag:s9] =	ssyncset.done $0x0  }
0x3e: {  	s8 =	rddreg [dreg:$0xc];
	[sflag:s9] =	ssyncadd.s32 $0xFFFFF800  }
0x3f: {  	[spmem:s8] =	stream.linear.scatter [tilespmem:s13], [sflag:$0x1], $0x800, $0x38;
	[tilespmem:$0x1DE80] =	vst v63  }
0x40: {  	_ =	swait.ge [sflag:s9], $0x800  }
0x41: {  	[sflag:s9] =	ssyncset.done $0x0  }
0x42: {  	s21 =	rddreg [dreg:$0xd];
	[sflag:s9] =	ssyncadd.s32 $0xFFFFF800  }
0x43: {  	[spmem:s21] =	stream.linear.scatter [tilespmem:s13], [sflag:$0x1], $0x800, $0x38;
	[tilespmem:$0x1DE80] =	vst v63  }
0x44: {  	_ =	swait.ge [sflag:s9], $0x800  }
0x45: {  	[sflag:s9] =	ssyncset.done $0x0  }
0x46: {  	s24 =	rddreg [dreg:$0xe];
	[sflag:s9] =	ssyncadd.s32 $0xFFFFF800  }
0x47: {  	[spmem:s24] =	stream.linear.scatter [tilespmem:s13], [sflag:$0x1], $0x800, $0x38;
	[tilespmem:$0x1DE80] =	vst v63  }
0x48: {  	_ =	swait.ge [sflag:s9], $0x800  }
0x49: {  	[sflag:s9] =	ssyncset.done $0x0  }
0x4a: {  	s25 =	rddreg [dreg:$0xf];
	[sflag:s9] =	ssyncadd.s32 $0xFFFFF800  }
0x4b: {  	[spmem:s25] =	stream.linear.scatter [tilespmem:s13], [sflag:$0x1], $0x800, $0x38;
	[tilespmem:$0x1DE80] =	vst v63  }
0x4c: {  	_ =	swait.ge [sflag:s9], $0x800  }
0x4d: {  	[sflag:s9] =	ssyncset.done $0x0  }
0x4e: {  	s26 =	rddreg [dreg:$0x10];
	[sflag:s9] =	ssyncadd.s32 $0xFFFFF800  }
0x4f: {  	[spmem:s26] =	stream.linear.scatter [tilespmem:s13], [sflag:$0x1], $0x800, $0x38;
	[tilespmem:$0x1DE80] =	vst v63  }
0x50: {  	_ =	swait.ge [sflag:s9], $0x800  }
0x51: {  	[sflag:s9] =	ssyncset.done $0x0  }
0x52: {  	s28 =	rddreg [dreg:$0x11];
	[sflag:s9] =	ssyncadd.s32 $0xFFFFF800  }
0x53: {  	[spmem:s28] =	stream.linear.scatter [tilespmem:s13], [sflag:$0x1], $0x800, $0x38;
	[tilespmem:$0x1DE80] =	vst v63  }
0x54: {  	_ =	swait.ge [sflag:s9], $0x800  }
0x55: {  	[sflag:s9] =	ssyncset.done $0x0  }
0x56: {  	s29 =	rddreg [dreg:$0x12];
	[sflag:s9] =	ssyncadd.s32 $0xFFFFF800  }
0x57: {  	[spmem:s29] =	stream.linear.scatter [tilespmem:s13], [sflag:$0x1], $0x800, $0x38;
	[tilespmem:$0x1DE80] =	vst v63  }
0x58: {  	_ =	swait.ge [sflag:s9], $0x800  }
0x59: {  	[sflag:s9] =	ssyncset.done $0x0  }
0x5a: {  	s20 =	rddreg [dreg:$0x13];
	[sflag:s9] =	ssyncadd.s32 $0xFFFFF800  }
0x5b: {  	[spmem:s20] =	stream.linear.scatter [tilespmem:s13], [sflag:$0x1], $0x800, $0x38;
	[tilespmem:$0x1DE80] =	vst v63  }
0x5c: {  	_ =	swait.ge [sflag:s9], $0x800  }
0x5d: {  	[sflag:s9] =	ssyncset.done $0x0  }
0x5e: {  	s21 =	rddreg [dreg:$0x14];
	[sflag:s9] =	ssyncadd.s32 $0xFFFFF800  }
0x5f: {  	[spmem:s21] =	stream.linear.scatter [tilespmem:s13], [sflag:$0x1], $0x800, $0x38;
	[tilespmem:$0x1DE80] =	vst v63  }
0x60: {  	_ =	swait.ge [sflag:s9], $0x800  }
0x61: {  	[sflag:s9] =	ssyncset.done $0x0  }
0x62: {  	s24 =	rddreg [dreg:$0x16];
	[sflag:s9] =	ssyncadd.s32 $0xFFFFF800  }
0x63: {  	[spmem:s24] =	stream.linear.scatter [tilespmem:s13], [sflag:$0x1], $0x800, $0x38;
	[tilespmem:$0x1DE80] =	vst v63  }
0x64: {  	_ =	swait.ge [sflag:s9], $0x800  }
0x65: {  	[sflag:s9] =	ssyncset.done $0x0  }
0x66: {  	s25 =	rddreg [dreg:$0x17];
	[sflag:s9] =	ssyncadd.s32 $0xFFFFF800  }
0x67: {  	[spmem:s25] =	stream.linear.scatter [tilespmem:s13], [sflag:$0x1], $0x800, $0x38;
	[tilespmem:$0x1DE80] =	vst v63  }
0x68: {  	_ =	swait.ge [sflag:s9], $0x800  }
0x69: {  	[sflag:s9] =	ssyncset.done $0x0  }
0x6a: {  	s26 =	rddreg [dreg:$0x18];
	[sflag:s9] =	ssyncadd.s32 $0xFFFFF800  }
0x6b: {  	[spmem:s26] =	stream.linear.scatter [tilespmem:s13], [sflag:$0x1], $0x800, $0x38;
	[tilespmem:$0x1DE80] =	vst v63  }
0x6c: {  	_ =	swait.ge [sflag:s9], $0x800  }
0x6d: {  	[sflag:s9] =	ssyncset.done $0x0  }
0x6e: {  	[sflag:s9] =	ssyncadd.s32 $0xFFFFF800  }
0x6f: {  	[spmem:s30] =	stream.linear.scatter [tilespmem:s13], [sflag:$0x1], $0x800, $0x38;
	[tilespmem:$0x1DE80] =	vst v63  }
0x70: {  	_ =	swait.ge [sflag:s9], $0x800  }
0x71: {  	[sflag:s9] =	ssyncset.done $0x0  }
0x72: {  	[sflag:s9] =	ssyncadd.s32 $0xFFFFF800  }
0x73: {  	[spmem:s31] =	stream.linear.scatter [tilespmem:s13], [sflag:$0x1], $0x800, $0x38;
	[tilespmem:$0x1DE80] =	vst v63  }
0x74: {  	_ =	swait.ge [sflag:s9], $0x800  }
0x75: {  	[sflag:s9] =	ssyncset.done $0x0  }
0x76: {  	[sflag:s9] =	ssyncadd.s32 $0xFFFFF800  }
0x77: {  	[spmem:s2] =	stream.linear.scatter [tilespmem:s13], [sflag:$0x1], $0x800, $0x38;
	[tilespmem:$0x1DE80] =	vst v63  }
0x78: {  	_ =	swait.ge [sflag:s9], $0x800  }
0x79: {  	[sflag:s9] =	ssyncset.done $0x0  }
0x7a: {  	[sflag:s9] =	ssyncadd.s32 $0xFFFFF800  }
0x7b: {  	[spmem:s4] =	stream.linear.scatter [tilespmem:s13], [sflag:$0x1], $0x800, $0x38;
	[tilespmem:$0x1DE80] =	vst v63  }
0x7c: {  	_ =	swait.ge [sflag:s9], $0x800  }
0x7d: {  	[sflag:s9] =	ssyncset.done $0x0  }
0x7e: {  	[sflag:s9] =	ssyncadd.s32 $0xFFFFF800  }
0x7f: {  	[spmem:s0] =	stream.linear.scatter [tilespmem:s13], [sflag:$0x1], $0x800, $0x38;
	[tilespmem:$0x1DE80] =	vst v63  }
0x80: {  	_ =	swait.ge [sflag:s9], $0x800  }
0x81: {  	[sflag:s9] =	ssyncset.done $0x0  }
0x82: {  	[sflag:s9] =	ssyncadd.s32 $0xFFFFF800  }
0x83: {  	[spmem:s6] =	stream.linear.scatter [tilespmem:s13], [sflag:$0x1], $0x800, $0x38;
	[tilespmem:$0x1DE80] =	vst v63  }
0x84: {  	_ =	swait.ge [sflag:s9], $0x800  }
0x85: {  	[sflag:s9] =	ssyncset.done $0x0  }
0x86: {  	[sflag:s9] =	ssyncadd.s32 $0xFFFFF800  }
0x87: {  	[spmem:s7] =	stream.linear.scatter [tilespmem:s13], [sflag:$0x1], $0x800, $0x38;
	[tilespmem:$0x1DE80] =	vst v63  }
0x88: {  	_ =	swait.ge [sflag:s9], $0x800  }
0x89: {  	[sflag:s9] =	ssyncset.done $0x0  }
0x8a: {  	[sflag:s9] =	ssyncadd.s32 $0xFFFFF800  }
0x8b: {  	s28 =	simm.s32 $0x0;
	s29 =	simm.s32 $0x5800;
	[bflag:$0x0] =	sbarrier.arrive $0xFFFF  }
0x8c: {  	[spmem:s1] =	stream.indirect.scatter.add.f32 [tilespmem:s29], [sflag:$0x1], $0x1, s28, s14, $0xb8;
	[tilespmem:$0x1DE80] =	vst v63  }
0x8d: {  	s8 =	simm.s32 $0x200;
	_ =	swait.ge [sflag:s9], $0x80  }
.LBB2_4:
0x8e: {  	s20 =	sshra.s32 s8, $0x2;
	[sflag:s9] =	ssyncset.done $0x0;
	p0 =	sne.s32 s8, $0x15E00  }
.Ltmp1:
0x8f: {  	s21 =	sadd.s32 $0x5800, s20;
	[sflag:s9] =	ssyncadd.s32 $0xFFFFFF80;
	(pc) =	sbr.rel @p0 .LBB2_4-.Ltmp1, $3  }
0x90: {  	[spmem:s1] =	stream.indirect.scatter.add.f32 [tilespmem:s21], [sflag:$0x1], $0x1, s20, s14, $0xb8;
	[tilespmem:$0x1DE80] =	vst v63  }
0x91: {  	s8 =	sadd.s32 $0x200, s8;
	_ =	sdelay $0x1  }
0x92: {  	_ =	swait.ge [sflag:s9], $0x80  }
0x93: {  	[sflag:s9] =	ssyncset.done $0x0  }
0x94: {  	[sflag:s9] =	ssyncadd.s32 $0xFFFFFF80  }
0x95: {  	[bflag:$0x0] =	sbarrier.arrive $0xFFFF  }
0x96: {  	[tilespmem:s15], [sflag:$0x1] =	stream.linear.gather [spmem:s10], $0x280, $0x38;
	[tilespmem:$0x1DE80] =	vst v63  }
0x97: {  	_ =	swait.ge [sflag:s9], $0x280  }
0x98: {  	[sflag:s9] =	ssyncset.done $0x0  }
0x99: {  	s8 =	simm.s32 $0x0;
	s20 =	simm.s32 $0x40;
	[sflag:s9] =	ssyncadd.s32 $0xFFFFFD80  }
.LBB2_6:
0x9a: {  	p0 =	sne.s32 s20, $0x9C0;
	v1 =	vld [tilespmem:s8+$0x12C00];
	_ =	sdelay $0x4  }
0x9b: {  	v2 =	vshrl.u32 v1, $0x1;
	v3 =	vmul.f32 $5.000000000e-01, v1  }
0x9c: {  	v2 =	vsub.s32 $0x5F3759DF, v2  }
0x9d: {  	v4 =	vmul.f32 v2, v3;
	_ =	sdelay $0x1  }
0x9e: {  	v4 =	vmul.f32 v2, v4;
	_ =	sdelay $0x1  }
0x9f: {  	v4 =	vsub.f32 $1.500000000e+00, v4;
	_ =	sdelay $0x1  }
0xa0: {  	v2 =	vmul.f32 v2, v4;
	_ =	sdelay $0x1  }
0xa1: {  	v3 =	vmul.f32 v2, v3;
	_ =	sdelay $0x1  }
0xa2: {  	v3 =	vmul.f32 v3, v2;
	_ =	sdelay $0x1  }
0xa3: {  	v3 =	vsub.f32 $1.500000000e+00, v3  }
.Ltmp2:
0xa4: {  	(pc) =	sbr.rel @p0 .LBB2_6-.Ltmp2, $4  }
0xa5: {  	v2 =	vmul.f32 v3, v2  }
0xa6: {  	vm0 =	vgt.f32 v1, $0.0e+00  }
0xa7: {  	v1 =	vnsel vm0, $0x0, v2  }
0xa8: {  	[tilespmem:s8+$0x12C00] =	vst v1;
	s8 =	sshra.s32 s20, $0x2;
	s20 =	sadd.s32 $0x40, s20  }
0xa9: {  	v1 =	vld [tilespmem:s8+$0x12C00];
	_ =	sdelay $0x4  }
0xaa: {  	v2 =	vshrl.u32 v1, $0x1;
	v3 =	vmul.f32 $5.000000000e-01, v1  }
0xab: {  	v2 =	vsub.s32 $0x5F3759DF, v2  }
0xac: {  	v4 =	vmul.f32 v2, v3;
	_ =	sdelay $0x1  }
0xad: {  	v4 =	vmul.f32 v2, v4;
	_ =	sdelay $0x1  }
0xae: {  	v4 =	vsub.f32 $1.500000000e+00, v4;
	_ =	sdelay $0x1  }
0xaf: {  	v2 =	vmul.f32 v2, v4;
	_ =	sdelay $0x1  }
0xb0: {  	v3 =	vmul.f32 v2, v3;
	_ =	sdelay $0x1  }
0xb1: {  	v3 =	vmul.f32 v3, v2;
	_ =	sdelay $0x1  }
0xb2: {  	v3 =	vsub.f32 $1.500000000e+00, v3;
	_ =	sdelay $0x1  }
0xb3: {  	v2 =	vmul.f32 v3, v2  }
0xb4: {  	vm0 =	vgt.f32 v1, $0.0e+00  }
0xb5: {  	v1 =	vnsel vm0, $0x0, v2  }
0xb6: {  	s28 =	rddreg [dreg:$0x9];
	[tilespmem:s8+$0x12C00] =	vst v1  }
0xb7: {  	[spmem:s28] =	stream.linear.scatter [tilespmem:s15], [sflag:$0x1], $0x280, $0x38;
	[tilespmem:$0x1DE80] =	vst v63  }
0xb8: {  	_ =	swait.ge [sflag:s9], $0x280  }
0xb9: {  	[sflag:s9] =	ssyncset.done $0x0  }
0xba: {  	[sflag:s9] =	ssyncadd.s32 $0xFFFFFD80  }
0xbb: {  	[bflag:$0x0] =	sbarrier.arrive $0xFFFF  }
0xbc: {  	s29 =	rddreg [dreg:$0x3]  }
0xbd: {  	[tilespmem:s16], [sflag:$0x1] =	stream.linear.gather [spmem:s29], $0x2800, $0x38;
	[tilespmem:$0x1DE80] =	vst v63  }
0xbe: {  	_ =	swait.ge [sflag:s9], $0x2800  }
0xbf: {  	s20 =	simm.s32 $0x0;
	s21 =	simm.s32 $0xB000;
	[sflag:s9] =	ssyncset.done $0x0  }
0xc0: {  	s24 =	smov.u32 s22;
	s8 =	smov.u32 s23;
	[sflag:s9] =	ssyncadd.s32 $0xFFFFD800  }
.LBB2_8:
0xc1: {  	v1 =	vmov s21  }
0xc2: {  	v2 =	vmov s24;
	_ =	sdelay $0x2  }
0xc3: {  	s25 =	simm.s32 $0x0  }
0xc4: {  	v4 =	vld.idx.msk [tilespmem:v1+s25+$0x0 ss:$0x1], $0xffff  }
0xc5: {  	v5 =	vld.idx.msk [tilespmem:v2+s25+$0x0 ss:$0x1], $0xffff;
	_ =	sdelay $0x3  }
0xc6: {  	v3 =	vmov s8;
	vm0 =	vlt.s32 v4, $0x0  }
0xc7: {  	v6 =	vsel vm0, $0x0, v4;
	_ =	sdelay $0x2  }
0xc8: {  	v7 =	vld.idx.msk [tilespmem:v5+s12+$0x0], $0xffff  }
0xc9: {  	v8 =	vld.idx.msk [tilespmem:v3+s25+$0x0 ss:$0x1], $0xffff  }
0xca: {  	v6 =	vld.idx.msk [tilespmem:v6+s16+$0x0], $0xffff;
	_ =	sdelay $0x1  }
0xcb: {  	v9 =	vld.idx.msk [tilespmem:v5+s16+$0x0], $0xffff  }
0xcc: {  	vm1 =	vlt.s32 v7, $0x0  }
0xcd: {  	v7 =	vsel vm1, $0x0, v7  }
0xce: {  	v5 =	vand.u32 $0x7F, v5;
	v7 =	vmul.u32 $0x2880, v7;
	v6 =	vmul.f32 v6, v8  }
0xcf: {  	v5 =	vor.u32 $0x2800, v5  }
0xd0: {  	s26 =	simm.s32 $0x40;
	s28 =	simm.s32 $0x80;
	v4 =	vsel vm0, v5, v4;
	v5 =	vmul.f32 v9, v6;
	v6 =	vsel vm1, $0x0, v7  }
.LBB2_9:
0xd1: {  	p0 =	sne.s32 s28, $0x1C0  }
0xd2: {  	s29 =	sshra.s32 s26, $0x2;
	v4 =	vadd.s32 v4, v6;
	v5 =	vsel vm0, $0x3F800000, v5;
	s26 =	smov.u32 s28;
	s28 =	sadd.s32 $0x40, s28  }
0xd3: {  	[tilespmem:s25+$0x12E80] =	vst v4;
	v4 =	vsel vm1, $0x0, v5  }
0xd4: {  	[tilespmem:s25+$0x12F00] =	vst v4;
	s25 =	smov.u32 s29  }
0xd5: {  	v4 =	vld.idx.msk [tilespmem:v1+s25+$0x0 ss:$0x1], $0xffff;
	_ =	sdelay $0x1  }
0xd6: {  	v5 =	vld.idx.msk [tilespmem:v2+s25+$0x0 ss:$0x1], $0xffff;
	_ =	sdelay $0x3  }
0xd7: {  	vm0 =	vlt.s32 v4, $0x0  }
0xd8: {  	v6 =	vsel vm0, $0x0, v4  }
0xd9: {  	v7 =	vand.u32 $0x7F, v5  }
0xda: {  	v7 =	vor.u32 $0x2800, v7  }
0xdb: {  	v4 =	vsel vm0, v7, v4;
	v8 =	vld.idx.msk [tilespmem:v5+s12+$0x0], $0xffff  }
0xdc: {  	v7 =	vld.idx.msk [tilespmem:v3+s25+$0x0 ss:$0x1], $0xffff  }
0xdd: {  	v6 =	vld.idx.msk [tilespmem:v6+s16+$0x0], $0xffff;
	_ =	sdelay $0x1  }
0xde: {  	v5 =	vld.idx.msk [tilespmem:v5+s16+$0x0], $0xffff;
	_ =	sdelay $0x2  }
.Ltmp3:
0xdf: {  	vm1 =	vlt.s32 v8, $0x0;
	(pc) =	sbr.rel @p0 .LBB2_9-.Ltmp3, $4  }
0xe0: {  	v8 =	vsel vm1, $0x0, v8;
	v6 =	vmul.f32 v6, v7  }
0xe1: {  	v7 =	vmul.u32 $0x2880, v8  }
0xe2: {  	v5 =	vmul.f32 v5, v6  }
0xe3: {  	v6 =	vsel vm1, $0x0, v7  }
0xe4: {  	_ = 	snop  }
0xe5: {  	v4 =	vadd.s32 v4, v6;
	v5 =	vsel vm0, $0x3F800000, v5  }
0xe6: {  	[tilespmem:s25+$0x12E80] =	vst v4;
	v59 =	vsel vm1, $0x0, v5  }
0xe7: {  	s26 =	sshra.s32 s26, $0x2;
	[tilespmem:s25+$0x12F00] =	vst v59  }
0xe8: {  	v1 =	vld.idx.msk [tilespmem:v1+s26+$0x0 ss:$0x1], $0xffff;
	_ =	sdelay $0x1  }
0xe9: {  	v2 =	vld.idx.msk [tilespmem:v2+s26+$0x0 ss:$0x1], $0xffff;
	_ =	sdelay $0x2  }
0xea: {  	vm14 =	vlt.s32 v1, $0x0  }
0xeb: {  	v60 =	vsel vm14, $0x0, v1;
	_ =	sdelay $0x2  }
0xec: {  	v3 =	vld.idx.msk [tilespmem:v3+s26+$0x0 ss:$0x1], $0xffff  }
0xed: {  	v61 =	vld.idx.msk [tilespmem:v2+s12+$0x0], $0xffff  }
0xee: {  	v4 =	vld.idx.msk [tilespmem:v60+s16+$0x0], $0xffff;
	_ =	sdelay $0x1  }
0xef: {  	v62 =	vld.idx.msk [tilespmem:v2+s16+$0x0], $0xffff;
	_ =	sdelay $0x1  }
0xf0: {  	vm15 =	vlt.s32 v61, $0x0  }
0xf1: {  	v5 =	vsel vm15, $0x0, v61;
	v3 =	vmul.f32 v4, v3  }
0xf2: {  	v2 =	vand.u32 $0x7F, v2;
	v63 =	vmul.u32 $0x2880, v5  }
0xf3: {  	v2 =	vor.u32 $0x2800, v2;
	v3 =	vmul.f32 v62, v3  }
0xf4: {  	v1 =	vsel vm14, v2, v1;
	v2 =	vsel vm15, $0x0, v63  }
0xf5: {  	s20 =	sadd.s32 $0x1, s20;
	v1 =	vadd.s32 v1, v2;
	v2 =	vsel vm14, $0x3F800000, v3  }
0xf6: {  	p0 =	sne.s32 s20, $0x58;
	[tilespmem:s26+$0x12E80] =	vst v1;
	v1 =	vsel vm15, $0x0, v2  }
.Ltmp4:
0xf7: {  	[tilespmem:s26+$0x12F00] =	vst v1;
	(pc) =	sbr.rel @p0 .LBB2_8-.Ltmp4, $4  }
0xf8: {  	[spmem:s3] =	stream.indirect.scatter.add.f32 [tilespmem:s18], [sflag:$0x1], $0x1, s17, s14, $0xb8;
	[tilespmem:$0x1DE80] =	vst v63  }
0xf9: {  	_ =	swait.ge [sflag:s9], $0x80  }
0xfa: {  	s8 =	sadd.s32 $0x80, s8;
	[sflag:s9] =	ssyncset.done $0x0  }
0xfb: {  	s24 =	sadd.s32 $0x80, s24;
	s21 =	sadd.s32 $0x80, s21;
	[sflag:s9] =	ssyncadd.s32 $0xFFFFFF80  }
0xfc: {  	s8 =	stileid.u32;
	[bflag:$0x0] =	sbarrier.arrive $0xFFFF  }
0xfd: {  	s8 =	sshll.u32 s8, $0x6;
	s20 =	rddreg [dreg:$0xa]  }
0xfe: {  	s21 =	rddreg [dreg:$0x15];
	s8 =	sor.u32 $0x1C01, s8  }
0xff: {  	[hbm:s20], [sflag:s8] =	dma.local [spmem:s21], $0x1440  }
0x100: {  	_ =	swait.ge [sflag:s9], $0x1440  }
0x101: {  	s19 =	sadd.s32 $0x1, s19;
	s29 =	rddreg [dreg:$0xb]  }
0x102: {  	p0 =	sne.s32 s19, s29  }
.Ltmp5:
0x103: {  	_ = 	snop;
	(pc) =	sbr.rel @p0 .LBB2_1-.Ltmp5, $3  }
0x104: {  	_ =	sdelay $0x1  }
0x105: {  	[sflag:s9] =	ssyncset.done $0x0  }
0x106: {  	[sflag:s9] =	ssyncadd.s32 $0xFFFFEBC0  }
0x107: {  	_ =	sfence.sel $0x180000  }
0x108: {  	[bflag:$0x0] =	sbarrier.arrive $0xFFFF  }
0x109: {  	_ =	strace $0x90000047  }
0x10a: {  	s0 =	stileid.u32;
	[bflag:$0x2] =	sbarrier.arrive $0xFFFF  }
0x10b: {  	p0 =	sne.s32 s0, $0x0;
	s0 =	rddreg [dreg:$0x4]  }
0x10c: {  	s0 =	sadd.s32 @!p0 $0x100000, s0  }
0x10d: {  	[sflag:s0] =	ssyncadd.tile.s32 @!p0 $0x1;
	_ =	shalt  }
.Lfunc_end2:
_tile_overlayer_lowered:
.L_overlay_start_2:
0x10e: {  	(tag) =	ssettag $0x2  }
0x10f: {  	s0 =	rddreg [dreg:$0x0];
	s2 =	stileid.u32  }
0x110: {  	s1 =	rddreg [dreg:$0x1];
	p0 =	sne.s32 s2, $0x0  }
0x111: {  	s3 =	rddreg [dreg:$0x2];
	[bflag:$0x3] =	sbarrier.arrive $0xFFFF;
	s2 =	simm.s32 @!p0 $0x1C01  }
0x112: {  	[timem:s3], [sflag:s2] =	dma.local @!p0 [hbm:s0], s1  }
0x113: {  	s0 =	simm.s32 @!p0 $0x1  }
0x114: {  	_ =	swait.ge @!p0 [sflag:s0], s1  }
0x115: {  	s1 =	ssub.s32 @!p0 $0x0, s1;
	[sflag:s0] =	ssyncset.done @!p0 $0x0  }
0x116: {  	[sflag:s0] =	ssyncadd.s32 @!p0 s1  }
0x117: {  	[bflag:$0x3] =	sbarrier.arrive $0xFFFF  }
0x118: {  	_ =	shalt  }

</sc_bundles>
